<compile_context>
chip_gen: v7x
topology: tpu7x:2x2x1
jax: 0.10.2.dev20260603
libtpu: 0.0.44.dev20260713+nightly
codegen_flags: <defaults>
</compile_context>

<pallas_src>
import functools

import jax
import jax.numpy as jnp
from jax import lax
from jax.experimental import pallas as pl
from jax.experimental.pallas import tpu as pltpu
from jax.experimental.pallas import tpu_sc as plsc

_BATCH = 16384
_HIST = 200
_EMBED = 32
_B = _BATCH * _HIST

_NC = 2
_NS = 16
_NW = _NC * _NS

_B_PER_W = _B // _NW
_CHUNK = 1600
_N_CHUNKS = _B_PER_W // _CHUNK
_N_GROUPS = _N_CHUNKS // 2


def _embed_kernel(idx_hbm, table_hbm, out_hbm, idx_v, rows_v,
                  si0, si1, sg0, sg1, ss0, ss1):
    wid = lax.axis_index("s") * _NC + lax.axis_index("c")
    base = wid * _B_PER_W
    si = (si0, si1)
    sg = (sg0, sg1)
    ss = (ss0, ss1)

    def idx_cp(g, b):
        return pltpu.make_async_copy(
            idx_hbm.at[pl.ds(base + g * _CHUNK, _CHUNK)], idx_v.at[b], si[b])

    def gat_cp(b):
        return pltpu.make_async_copy(
            table_hbm.at[idx_v.at[b]], rows_v.at[b], sg[b])

    def sct_cp(g, b):
        return pltpu.make_async_copy(
            rows_v.at[b], out_hbm.at[pl.ds(base + g * _CHUNK, _CHUNK)], ss[b])

    for b in range(2):
        idx_cp(b, b).start()
    for b in range(2):
        idx_cp(b, b).wait()
        gat_cp(b).start()
    for b in range(2):
        gat_cp(b).wait()
        sct_cp(b, b).start()
        idx_cp(2 + b, b).start()

    def body(i, carry):
        g0 = 2 * i
        for b in range(2):
            idx_cp(g0 + b, b).wait()
            sct_cp(g0 + b, b).wait()
            gat_cp(b).start()
        for b in range(2):
            gat_cp(b).wait()
            sct_cp(g0 + b, b).start()
            idx_cp(g0 + 2 + b, b).start()
        return carry

    lax.fori_loop(1, _N_GROUPS - 1, body, 0)

    g0 = 2 * (_N_GROUPS - 1)
    for b in range(2):
        idx_cp(g0 + b, b).wait()
        sct_cp(g0 + b, b).wait()
        gat_cp(b).start()
    for b in range(2):
        gat_cp(b).wait()
        sct_cp(g0 + b, b).start()
    for b in range(2):
        sct_cp(g0 + b, b).wait()


@jax.jit
def _embed(x_flat, table):
    mesh = plsc.VectorSubcoreMesh(core_axis_name="c", subcore_axis_name="s")
    k = functools.partial(
        pl.kernel,
        mesh=mesh,
        out_type=jax.ShapeDtypeStruct((_B, _EMBED), jnp.float32),
        scratch_types=[
            pltpu.VMEM((2, _CHUNK), jnp.int32),
            pltpu.VMEM((2, _CHUNK, _EMBED), jnp.float32),
            pltpu.SemaphoreType.DMA,
            pltpu.SemaphoreType.DMA,
            pltpu.SemaphoreType.DMA,
            pltpu.SemaphoreType.DMA,
            pltpu.SemaphoreType.DMA,
            pltpu.SemaphoreType.DMA,
        ],
        compiler_params=pltpu.CompilerParams(use_tc_tiling_on_sc=False),
    )(_embed_kernel)
    return k(x_flat, table)


def kernel(x, table):
    x_flat = x.reshape(-1).astype(jnp.int32)
    out = _embed(x_flat, table)
    return out.reshape(_BATCH, _HIST, _EMBED)

# --- scband reference (transcript-rebuilt; emitter-appended) ---
"""Pipeline reference for scband-absolute-time-embedding-12463995093470 (READ-ONLY COPY).

The authoritative reference and input builder live on the scoring server;
editing this copy changes nothing except your own understanding.
"""

import jax, jax.numpy as jnp
import numpy as np

VOCAB = 1000000
EMBED = 32
BATCH = 16384
HIST = 200

def setup_inputs(seed: int = 0) -> dict:
    key = jax.random.key(seed)
    k1, k2 = jax.random.split(key)
    x = jax.random.randint(k1, (BATCH, HIST), 0, VOCAB)
    table = jax.random.normal(k2, (VOCAB, EMBED), dtype=jnp.float32)
    # padding_idx=0: row 0 is zeros, as in nn.Embedding(padding_idx=0)
    table = table.at[0].set(0.0)
    return {"x": x, "table": table}

def reference(x, table):
    # nn.Embedding forward: gather rows of the table
    return jnp.take(table, x, axis=0)

if __name__ == "__main__":
    import jax
    _d = setup_inputs()
    print(jax.jit(kernel)(*tuple(_d.values())))

</pallas_src>

<mosaic_0001>
#map = affine_map<(d0, d1) -> (0)>
#map1 = affine_map<(d0, d1) -> (0, 0)>
module attributes {stable_mosaic.version = 14 : i64} {
  func.func @_embed_kernel(%arg0: i32, %arg1: i32, %arg2: memref<3276800xi32, #tpu.memory_space<hbm>>, %arg3: memref<1000000x32xf32, #tpu.memory_space<hbm>>, %arg4: memref<3276800x32xf32, #tpu.memory_space<hbm>>, %arg5: memref<2x1600xi32, #tpu.memory_space<vmem>>, %arg6: memref<2x1600x32xf32, #tpu.memory_space<vmem>>, %arg7: memref<!tpu.dma_semaphore, #tpu.memory_space<semaphore_mem>>, %arg8: memref<!tpu.dma_semaphore, #tpu.memory_space<semaphore_mem>>, %arg9: memref<!tpu.dma_semaphore, #tpu.memory_space<semaphore_mem>>, %arg10: memref<!tpu.dma_semaphore, #tpu.memory_space<semaphore_mem>>, %arg11: memref<!tpu.dma_semaphore, #tpu.memory_space<semaphore_mem>>, %arg12: memref<!tpu.dma_semaphore, #tpu.memory_space<semaphore_mem>>) attributes {dimension_semantics = [#tpu.dimension_semantics<core_parallel>, #tpu.dimension_semantics<subcore_parallel>], iteration_bounds = array<i64: 2, 16>, scalar_prefetch = 0 : i64, scratch_operands = 8 : i64, tpu.core_type = #tpu.core_type<sc_vector_subcore>, window_params = [{transform_indices = #map}, {transform_indices = #map1}, {transform_indices = #map1}]} {
    %mul3A = arith.constant 2 : i32
    %mul3A_0 = arith.muli %arg1, %mul3A : i32
    %add3A = arith.addi %mul3A_0, %arg0 : i32
    %mul3A_1 = arith.constant 102400 : i32
    %mul3A_2 = arith.muli %add3A, %mul3A_1 : i32
    %add3A_3 = arith.constant 0 : i32
    %add3A_4 = arith.addi %mul3A_2, %add3A_3 : i32
    %dma_start3A = arith.constant 0 : i32
    %dma_start3A_5 = arith.constant 0 : i32
    %dma_start3A_6 = tpu.memref_slice %arg5[%dma_start3A, %dma_start3A_5] : memref<2x1600xi32, #tpu.memory_space<vmem>> -> memref<1x1600xi32, #tpu.memory_space<vmem>>
    %dma_start3A_7 = tpu.memref_squeeze %dma_start3A_6 : memref<1x1600xi32, #tpu.memory_space<vmem>> -> memref<1600xi32, #tpu.memory_space<vmem>>
    %dma_start3A_8 = tpu.memref_slice %arg2[%add3A_4] : memref<3276800xi32, #tpu.memory_space<hbm>> -> memref<1600xi32, #tpu.memory_space<hbm>>
    %dma_start3A_9 = arith.constant 0 : i32
    %dma_start3A_10 = tpu.memref_slice %arg5[%dma_start3A, %dma_start3A_9] : memref<2x1600xi32, #tpu.memory_space<vmem>> -> memref<1x1600xi32, #tpu.memory_space<vmem>>
    %dma_start3A_11 = tpu.memref_squeeze %dma_start3A_10 : memref<1x1600xi32, #tpu.memory_space<vmem>> -> memref<1600xi32, #tpu.memory_space<vmem>>
    %dma_start3A_12 = tpu.memref_slice %arg2[%add3A_4] : memref<3276800xi32, #tpu.memory_space<hbm>> -> memref<1600xi32, #tpu.memory_space<hbm>>
    tpu.enqueue_dma source(%dma_start3A_12 : memref<1600xi32, #tpu.memory_space<hbm>>) target(%dma_start3A_11 : memref<1600xi32, #tpu.memory_space<vmem>>) target_semaphore(%arg7 : memref<!tpu.dma_semaphore, #tpu.memory_space<semaphore_mem>>)
    %add3A_13 = arith.constant 1600 : i32
    %add3A_14 = arith.addi %mul3A_2, %add3A_13 : i32
    %dma_start3A_15 = arith.constant 1 : i32
    %dma_start3A_16 = arith.constant 0 : i32
    %dma_start3A_17 = tpu.memref_slice %arg5[%dma_start3A_15, %dma_start3A_16] : memref<2x1600xi32, #tpu.memory_space<vmem>> -> memref<1x1600xi32, #tpu.memory_space<vmem>>
    %dma_start3A_18 = tpu.memref_squeeze %dma_start3A_17 : memref<1x1600xi32, #tpu.memory_space<vmem>> -> memref<1600xi32, #tpu.memory_space<vmem>>
    %dma_start3A_19 = tpu.memref_slice %arg2[%add3A_14] : memref<3276800xi32, #tpu.memory_space<hbm>> -> memref<1600xi32, #tpu.memory_space<hbm>>
    %dma_start3A_20 = arith.constant 0 : i32
    %dma_start3A_21 = tpu.memref_slice %arg5[%dma_start3A_15, %dma_start3A_20] : memref<2x1600xi32, #tpu.memory_space<vmem>> -> memref<1x1600xi32, #tpu.memory_space<vmem>>
    %dma_start3A_22 = tpu.memref_squeeze %dma_start3A_21 : memref<1x1600xi32, #tpu.memory_space<vmem>> -> memref<1600xi32, #tpu.memory_space<vmem>>
    %dma_start3A_23 = tpu.memref_slice %arg2[%add3A_14] : memref<3276800xi32, #tpu.memory_space<hbm>> -> memref<1600xi32, #tpu.memory_space<hbm>>
    tpu.enqueue_dma source(%dma_start3A_23 : memref<1600xi32, #tpu.memory_space<hbm>>) target(%dma_start3A_22 : memref<1600xi32, #tpu.memory_space<vmem>>) target_semaphore(%arg8 : memref<!tpu.dma_semaphore, #tpu.memory_space<semaphore_mem>>)
    %add3A_24 = arith.constant 0 : i32
    %add3A_25 = arith.addi %mul3A_2, %add3A_24 : i32
    %dma_wait3A = arith.constant 0 : i32
    %dma_wait3A_26 = arith.constant 0 : i32
    %dma_wait3A_27 = tpu.memref_slice %arg5[%dma_wait3A, %dma_wait3A_26] : memref<2x1600xi32, #tpu.memory_space<vmem>> -> memref<1x1600xi32, #tpu.memory_space<vmem>>
    %dma_wait3A_28 = tpu.memref_squeeze %dma_wait3A_27 : memref<1x1600xi32, #tpu.memory_space<vmem>> -> memref<1600xi32, #tpu.memory_space<vmem>>
    %dma_wait3A_29 = tpu.memref_slice %arg2[%add3A_25] : memref<3276800xi32, #tpu.memory_space<hbm>> -> memref<1600xi32, #tpu.memory_space<hbm>>
    %dma_wait3A_30 = arith.constant 0 : i32
    %dma_wait3A_31 = tpu.memref_slice %arg5[%dma_wait3A, %dma_wait3A_30] : memref<2x1600xi32, #tpu.memory_space<vmem>> -> memref<1x1600xi32, #tpu.memory_space<vmem>>
    %dma_wait3A_32 = tpu.memref_squeeze %dma_wait3A_31 : memref<1x1600xi32, #tpu.memory_space<vmem>> -> memref<1600xi32, #tpu.memory_space<vmem>>
    %dma_wait3A_33 = tpu.memref_slice %arg2[%add3A_25] : memref<3276800xi32, #tpu.memory_space<hbm>> -> memref<1600xi32, #tpu.memory_space<hbm>>
    tpu.wait_dma2 semaphore(%arg7 : memref<!tpu.dma_semaphore, #tpu.memory_space<semaphore_mem>>) src(%dma_wait3A_33 : memref<1600xi32, #tpu.memory_space<hbm>>) dst(%dma_wait3A_32 : memref<1600xi32, #tpu.memory_space<vmem>>)
    %dma_start3A_34 = arith.constant 0 : i32
    %dma_start3A_35 = arith.constant 0 : i32
    %dma_start3A_36 = arith.constant 0 : i32
    %dma_start3A_37 = arith.constant 0 : i32
    %dma_start3A_38 = tpu.memref_slice %arg6[%dma_start3A_35, %dma_start3A_36, %dma_start3A_37] : memref<2x1600x32xf32, #tpu.memory_space<vmem>> -> memref<1x1600x32xf32, #tpu.memory_space<vmem>>
    %dma_start3A_39 = tpu.memref_squeeze %dma_start3A_38 : memref<1x1600x32xf32, #tpu.memory_space<vmem>> -> memref<1600x32xf32, #tpu.memory_space<vmem>>
    %dma_start3A_40 = arith.constant 0 : i32
    %dma_start3A_41 = tpu.memref_slice %arg5[%dma_start3A_34, %dma_start3A_40] : memref<2x1600xi32, #tpu.memory_space<vmem>> -> memref<1x1600xi32, #tpu.memory_space<vmem>>
    %dma_start3A_42 = tpu.memref_squeeze %dma_start3A_41 : memref<1x1600xi32, #tpu.memory_space<vmem>> -> memref<1600xi32, #tpu.memory_space<vmem>>
    %dma_start3A_43 = arith.constant 0 : i32
    %dma_start3A_44 = arith.constant 0 : i32
    %dma_start3A_45 = tpu.memref_slice %arg3[%dma_start3A_43, %dma_start3A_44] : memref<1000000x32xf32, #tpu.memory_space<hbm>> -> memref<1000000x32xf32, #tpu.memory_space<hbm>>
    tpu.enqueue_indirect_dma source(%dma_start3A_45 : memref<1000000x32xf32, #tpu.memory_space<hbm>>) target(%dma_start3A_39 : memref<1600x32xf32, #tpu.memory_space<vmem>>) offsets(%dma_start3A_42 : memref<1600xi32, #tpu.memory_space<vmem>>) semaphore(%arg9 : memref<!tpu.dma_semaphore, #tpu.memory_space<semaphore_mem>>)
    %add3A_46 = arith.constant 1600 : i32
    %add3A_47 = arith.addi %mul3A_2, %add3A_46 : i32
    %dma_wait3A_48 = arith.constant 1 : i32
    %dma_wait3A_49 = arith.constant 0 : i32
    %dma_wait3A_50 = tpu.memref_slice %arg5[%dma_wait3A_48, %dma_wait3A_49] : memref<2x1600xi32, #tpu.memory_space<vmem>> -> memref<1x1600xi32, #tpu.memory_space<vmem>>
    %dma_wait3A_51 = tpu.memref_squeeze %dma_wait3A_50 : memref<1x1600xi32, #tpu.memory_space<vmem>> -> memref<1600xi32, #tpu.memory_space<vmem>>
    %dma_wait3A_52 = tpu.memref_slice %arg2[%add3A_47] : memref<3276800xi32, #tpu.memory_space<hbm>> -> memref<1600xi32, #tpu.memory_space<hbm>>
    %dma_wait3A_53 = arith.constant 0 : i32
    %dma_wait3A_54 = tpu.memref_slice %arg5[%dma_wait3A_48, %dma_wait3A_53] : memref<2x1600xi32, #tpu.memory_space<vmem>> -> memref<1x1600xi32, #tpu.memory_space<vmem>>
    %dma_wait3A_55 = tpu.memref_squeeze %dma_wait3A_54 : memref<1x1600xi32, #tpu.memory_space<vmem>> -> memref<1600xi32, #tpu.memory_space<vmem>>
    %dma_wait3A_56 = tpu.memref_slice %arg2[%add3A_47] : memref<3276800xi32, #tpu.memory_space<hbm>> -> memref<1600xi32, #tpu.memory_space<hbm>>
    tpu.wait_dma2 semaphore(%arg8 : memref<!tpu.dma_semaphore, #tpu.memory_space<semaphore_mem>>) src(%dma_wait3A_56 : memref<1600xi32, #tpu.memory_space<hbm>>) dst(%dma_wait3A_55 : memref<1600xi32, #tpu.memory_space<vmem>>)
    %dma_start3A_57 = arith.constant 1 : i32
    %dma_start3A_58 = arith.constant 1 : i32
    %dma_start3A_59 = arith.constant 0 : i32
    %dma_start3A_60 = arith.constant 0 : i32
    %dma_start3A_61 = tpu.memref_slice %arg6[%dma_start3A_58, %dma_start3A_59, %dma_start3A_60] : memref<2x1600x32xf32, #tpu.memory_space<vmem>> -> memref<1x1600x32xf32, #tpu.memory_space<vmem>>
    %dma_start3A_62 = tpu.memref_squeeze %dma_start3A_61 : memref<1x1600x32xf32, #tpu.memory_space<vmem>> -> memref<1600x32xf32, #tpu.memory_space<vmem>>
    %dma_start3A_63 = arith.constant 0 : i32
    %dma_start3A_64 = tpu.memref_slice %arg5[%dma_start3A_57, %dma_start3A_63] : memref<2x1600xi32, #tpu.memory_space<vmem>> -> memref<1x1600xi32, #tpu.memory_space<vmem>>
    %dma_start3A_65 = tpu.memref_squeeze %dma_start3A_64 : memref<1x1600xi32, #tpu.memory_space<vmem>> -> memref<1600xi32, #tpu.memory_space<vmem>>
    %dma_start3A_66 = arith.constant 0 : i32
    %dma_start3A_67 = arith.constant 0 : i32
    %dma_start3A_68 = tpu.memref_slice %arg3[%dma_start3A_66, %dma_start3A_67] : memref<1000000x32xf32, #tpu.memory_space<hbm>> -> memref<1000000x32xf32, #tpu.memory_space<hbm>>
    tpu.enqueue_indirect_dma source(%dma_start3A_68 : memref<1000000x32xf32, #tpu.memory_space<hbm>>) target(%dma_start3A_62 : memref<1600x32xf32, #tpu.memory_space<vmem>>) offsets(%dma_start3A_65 : memref<1600xi32, #tpu.memory_space<vmem>>) semaphore(%arg10 : memref<!tpu.dma_semaphore, #tpu.memory_space<semaphore_mem>>)
    %dma_wait3A_69 = arith.constant 0 : i32
    %dma_wait3A_70 = arith.constant 0 : i32
    %dma_wait3A_71 = arith.constant 0 : i32
    %dma_wait3A_72 = arith.constant 0 : i32
    %dma_wait3A_73 = tpu.memref_slice %arg6[%dma_wait3A_70, %dma_wait3A_71, %dma_wait3A_72] : memref<2x1600x32xf32, #tpu.memory_space<vmem>> -> memref<1x1600x32xf32, #tpu.memory_space<vmem>>
    %dma_wait3A_74 = tpu.memref_squeeze %dma_wait3A_73 : memref<1x1600x32xf32, #tpu.memory_space<vmem>> -> memref<1600x32xf32, #tpu.memory_space<vmem>>
    %dma_wait3A_75 = arith.constant 0 : i32
    %dma_wait3A_76 = tpu.memref_slice %arg5[%dma_wait3A_69, %dma_wait3A_75] : memref<2x1600xi32, #tpu.memory_space<vmem>> -> memref<1x1600xi32, #tpu.memory_space<vmem>>
    %dma_wait3A_77 = tpu.memref_squeeze %dma_wait3A_76 : memref<1x1600xi32, #tpu.memory_space<vmem>> -> memref<1600xi32, #tpu.memory_space<vmem>>
    %dma_wait3A_78 = arith.constant 0 : i32
    %dma_wait3A_79 = arith.constant 0 : i32
    %dma_wait3A_80 = tpu.memref_slice %arg3[%dma_wait3A_78, %dma_wait3A_79] : memref<1000000x32xf32, #tpu.memory_space<hbm>> -> memref<1000000x32xf32, #tpu.memory_space<hbm>>
    tpu.wait_indirect_dma semaphore(%arg9 : memref<!tpu.dma_semaphore, #tpu.memory_space<semaphore_mem>>) src(%dma_wait3A_80 : memref<1000000x32xf32, #tpu.memory_space<hbm>>) dst(%dma_wait3A_74 : memref<1600x32xf32, #tpu.memory_space<vmem>>)
    %add3A_81 = arith.constant 0 : i32
    %add3A_82 = arith.addi %mul3A_2, %add3A_81 : i32
    %dma_start3A_83 = arith.constant 0 : i32
    %dma_start3A_84 = arith.constant 0 : i32
    %dma_start3A_85 = arith.constant 0 : i32
    %dma_start3A_86 = tpu.memref_slice %arg6[%dma_start3A_83, %dma_start3A_84, %dma_start3A_85] : memref<2x1600x32xf32, #tpu.memory_space<vmem>> -> memref<1x1600x32xf32, #tpu.memory_space<vmem>>
    %dma_start3A_87 = tpu.memref_squeeze %dma_start3A_86 : memref<1x1600x32xf32, #tpu.memory_space<vmem>> -> memref<1600x32xf32, #tpu.memory_space<vmem>>
    %dma_start3A_88 = arith.constant 0 : i32
    %dma_start3A_89 = tpu.memref_slice %arg4[%add3A_82, %dma_start3A_88] : memref<3276800x32xf32, #tpu.memory_space<hbm>> -> memref<1600x32xf32, #tpu.memory_space<hbm>>
    %dma_start3A_90 = arith.constant 0 : i32
    %dma_start3A_91 = tpu.memref_slice %arg4[%add3A_82, %dma_start3A_90] : memref<3276800x32xf32, #tpu.memory_space<hbm>> -> memref<1600x32xf32, #tpu.memory_space<hbm>>
    %dma_start3A_92 = arith.constant 0 : i32
    %dma_start3A_93 = arith.constant 0 : i32
    %dma_start3A_94 = tpu.memref_slice %arg6[%dma_start3A_83, %dma_start3A_92, %dma_start3A_93] : memref<2x1600x32xf32, #tpu.memory_space<vmem>> -> memref<1x1600x32xf32, #tpu.memory_space<vmem>>
    %dma_start3A_95 = tpu.memref_squeeze %dma_start3A_94 : memref<1x1600x32xf32, #tpu.memory_space<vmem>> -> memref<1600x32xf32, #tpu.memory_space<vmem>>
    tpu.enqueue_dma source(%dma_start3A_95 : memref<1600x32xf32, #tpu.memory_space<vmem>>) target(%dma_start3A_91 : memref<1600x32xf32, #tpu.memory_space<hbm>>) target_semaphore(%arg11 : memref<!tpu.dma_semaphore, #tpu.memory_space<semaphore_mem>>)
    %add3A_96 = arith.constant 3200 : i32
    %add3A_97 = arith.addi %mul3A_2, %add3A_96 : i32
    %dma_start3A_98 = arith.constant 0 : i32
    %dma_start3A_99 = arith.constant 0 : i32
    %dma_start3A_100 = tpu.memref_slice %arg5[%dma_start3A_98, %dma_start3A_99] : memref<2x1600xi32, #tpu.memory_space<vmem>> -> memref<1x1600xi32, #tpu.memory_space<vmem>>
    %dma_start3A_101 = tpu.memref_squeeze %dma_start3A_100 : memref<1x1600xi32, #tpu.memory_space<vmem>> -> memref<1600xi32, #tpu.memory_space<vmem>>
    %dma_start3A_102 = tpu.memref_slice %arg2[%add3A_97] : memref<3276800xi32, #tpu.memory_space<hbm>> -> memref<1600xi32, #tpu.memory_space<hbm>>
    %dma_start3A_103 = arith.constant 0 : i32
    %dma_start3A_104 = tpu.memref_slice %arg5[%dma_start3A_98, %dma_start3A_103] : memref<2x1600xi32, #tpu.memory_space<vmem>> -> memref<1x1600xi32, #tpu.memory_space<vmem>>
    %dma_start3A_105 = tpu.memref_squeeze %dma_start3A_104 : memref<1x1600xi32, #tpu.memory_space<vmem>> -> memref<1600xi32, #tpu.memory_space<vmem>>
    %dma_start3A_106 = tpu.memref_slice %arg2[%add3A_97] : memref<3276800xi32, #tpu.memory_space<hbm>> -> memref<1600xi32, #tpu.memory_space<hbm>>
    tpu.enqueue_dma source(%dma_start3A_106 : memref<1600xi32, #tpu.memory_space<hbm>>) target(%dma_start3A_105 : memref<1600xi32, #tpu.memory_space<vmem>>) target_semaphore(%arg7 : memref<!tpu.dma_semaphore, #tpu.memory_space<semaphore_mem>>)
    %dma_wait3A_107 = arith.constant 1 : i32
    %dma_wait3A_108 = arith.constant 1 : i32
    %dma_wait3A_109 = arith.constant 0 : i32
    %dma_wait3A_110 = arith.constant 0 : i32
    %dma_wait3A_111 = tpu.memref_slice %arg6[%dma_wait3A_108, %dma_wait3A_109, %dma_wait3A_110] : memref<2x1600x32xf32, #tpu.memory_space<vmem>> -> memref<1x1600x32xf32, #tpu.memory_space<vmem>>
    %dma_wait3A_112 = tpu.memref_squeeze %dma_wait3A_111 : memref<1x1600x32xf32, #tpu.memory_space<vmem>> -> memref<1600x32xf32, #tpu.memory_space<vmem>>
    %dma_wait3A_113 = arith.constant 0 : i32
    %dma_wait3A_114 = tpu.memref_slice %arg5[%dma_wait3A_107, %dma_wait3A_113] : memref<2x1600xi32, #tpu.memory_space<vmem>> -> memref<1x1600xi32, #tpu.memory_space<vmem>>
    %dma_wait3A_115 = tpu.memref_squeeze %dma_wait3A_114 : memref<1x1600xi32, #tpu.memory_space<vmem>> -> memref<1600xi32, #tpu.memory_space<vmem>>
    %dma_wait3A_116 = arith.constant 0 : i32
    %dma_wait3A_117 = arith.constant 0 : i32
    %dma_wait3A_118 = tpu.memref_slice %arg3[%dma_wait3A_116, %dma_wait3A_117] : memref<1000000x32xf32, #tpu.memory_space<hbm>> -> memref<1000000x32xf32, #tpu.memory_space<hbm>>
    tpu.wait_indirect_dma semaphore(%arg10 : memref<!tpu.dma_semaphore, #tpu.memory_space<semaphore_mem>>) src(%dma_wait3A_118 : memref<1000000x32xf32, #tpu.memory_space<hbm>>) dst(%dma_wait3A_112 : memref<1600x32xf32, #tpu.memory_space<vmem>>)
    %add3A_119 = arith.constant 1600 : i32
    %add3A_120 = arith.addi %mul3A_2, %add3A_119 : i32
    %dma_start3A_121 = arith.constant 1 : i32
    %dma_start3A_122 = arith.constant 0 : i32
    %dma_start3A_123 = arith.constant 0 : i32
    %dma_start3A_124 = tpu.memref_slice %arg6[%dma_start3A_121, %dma_start3A_122, %dma_start3A_123] : memref<2x1600x32xf32, #tpu.memory_space<vmem>> -> memref<1x1600x32xf32, #tpu.memory_space<vmem>>
    %dma_start3A_125 = tpu.memref_squeeze %dma_start3A_124 : memref<1x1600x32xf32, #tpu.memory_space<vmem>> -> memref<1600x32xf32, #tpu.memory_space<vmem>>
    %dma_start3A_126 = arith.constant 0 : i32
    %dma_start3A_127 = tpu.memref_slice %arg4[%add3A_120, %dma_start3A_126] : memref<3276800x32xf32, #tpu.memory_space<hbm>> -> memref<1600x32xf32, #tpu.memory_space<hbm>>
    %dma_start3A_128 = arith.constant 0 : i32
    %dma_start3A_129 = tpu.memref_slice %arg4[%add3A_120, %dma_start3A_128] : memref<3276800x32xf32, #tpu.memory_space<hbm>> -> memref<1600x32xf32, #tpu.memory_space<hbm>>
    %dma_start3A_130 = arith.constant 0 : i32
    %dma_start3A_131 = arith.constant 0 : i32
    %dma_start3A_132 = tpu.memref_slice %arg6[%dma_start3A_121, %dma_start3A_130, %dma_start3A_131] : memref<2x1600x32xf32, #tpu.memory_space<vmem>> -> memref<1x1600x32xf32, #tpu.memory_space<vmem>>
    %dma_start3A_133 = tpu.memref_squeeze %dma_start3A_132 : memref<1x1600x32xf32, #tpu.memory_space<vmem>> -> memref<1600x32xf32, #tpu.memory_space<vmem>>
    tpu.enqueue_dma source(%dma_start3A_133 : memref<1600x32xf32, #tpu.memory_space<vmem>>) target(%dma_start3A_129 : memref<1600x32xf32, #tpu.memory_space<hbm>>) target_semaphore(%arg12 : memref<!tpu.dma_semaphore, #tpu.memory_space<semaphore_mem>>)
    %add3A_134 = arith.constant 4800 : i32
    %add3A_135 = arith.addi %mul3A_2, %add3A_134 : i32
    %dma_start3A_136 = arith.constant 1 : i32
    %dma_start3A_137 = arith.constant 0 : i32
    %dma_start3A_138 = tpu.memref_slice %arg5[%dma_start3A_136, %dma_start3A_137] : memref<2x1600xi32, #tpu.memory_space<vmem>> -> memref<1x1600xi32, #tpu.memory_space<vmem>>
    %dma_start3A_139 = tpu.memref_squeeze %dma_start3A_138 : memref<1x1600xi32, #tpu.memory_space<vmem>> -> memref<1600xi32, #tpu.memory_space<vmem>>
    %dma_start3A_140 = tpu.memref_slice %arg2[%add3A_135] : memref<3276800xi32, #tpu.memory_space<hbm>> -> memref<1600xi32, #tpu.memory_space<hbm>>
    %dma_start3A_141 = arith.constant 0 : i32
    %dma_start3A_142 = tpu.memref_slice %arg5[%dma_start3A_136, %dma_start3A_141] : memref<2x1600xi32, #tpu.memory_space<vmem>> -> memref<1x1600xi32, #tpu.memory_space<vmem>>
    %dma_start3A_143 = tpu.memref_squeeze %dma_start3A_142 : memref<1x1600xi32, #tpu.memory_space<vmem>> -> memref<1600xi32, #tpu.memory_space<vmem>>
    %dma_start3A_144 = tpu.memref_slice %arg2[%add3A_135] : memref<3276800xi32, #tpu.memory_space<hbm>> -> memref<1600xi32, #tpu.memory_space<hbm>>
    tpu.enqueue_dma source(%dma_start3A_144 : memref<1600xi32, #tpu.memory_space<hbm>>) target(%dma_start3A_143 : memref<1600xi32, #tpu.memory_space<vmem>>) target_semaphore(%arg8 : memref<!tpu.dma_semaphore, #tpu.memory_space<semaphore_mem>>)
    %scan3A = arith.constant 0 : i32
    %scan3A_145 = arith.constant 1 : i32
    %scan3A_146 = arith.constant 30 : i32
    %scan3A_147 = arith.addi %scan3A_145, %scan3A_146 : i32
    %scan3A_148 = arith.constant 1 : i32
    scf.for %scan3A_310 = %scan3A_145 to %scan3A_147 step %scan3A_148  : i32 {
      %mul3A_311 = arith.constant 2 : i32
      %mul3A_312 = arith.muli %mul3A_311, %scan3A_310 : i32
      %add3A_313 = arith.constant 0 : i32
      %add3A_314 = arith.addi %mul3A_312, %add3A_313 : i32
      %mul3A_315 = arith.constant 1600 : i32
      %mul3A_316 = arith.muli %add3A_314, %mul3A_315 : i32
      %add3A_317 = arith.addi %mul3A_2, %mul3A_316 : i32
      %dma_wait3A_318 = arith.constant 0 : i32
      %dma_wait3A_319 = arith.constant 0 : i32
      %dma_wait3A_320 = tpu.memref_slice %arg5[%dma_wait3A_318, %dma_wait3A_319] : memref<2x1600xi32, #tpu.memory_space<vmem>> -> memref<1x1600xi32, #tpu.memory_space<vmem>>
      %dma_wait3A_321 = tpu.memref_squeeze %dma_wait3A_320 : memref<1x1600xi32, #tpu.memory_space<vmem>> -> memref<1600xi32, #tpu.memory_space<vmem>>
      %dma_wait3A_322 = tpu.memref_slice %arg2[%add3A_317] : memref<3276800xi32, #tpu.memory_space<hbm>> -> memref<1600xi32, #tpu.memory_space<hbm>>
      %dma_wait3A_323 = arith.constant 0 : i32
      %dma_wait3A_324 = tpu.memref_slice %arg5[%dma_wait3A_318, %dma_wait3A_323] : memref<2x1600xi32, #tpu.memory_space<vmem>> -> memref<1x1600xi32, #tpu.memory_space<vmem>>
      %dma_wait3A_325 = tpu.memref_squeeze %dma_wait3A_324 : memref<1x1600xi32, #tpu.memory_space<vmem>> -> memref<1600xi32, #tpu.memory_space<vmem>>
      %dma_wait3A_326 = tpu.memref_slice %arg2[%add3A_317] : memref<3276800xi32, #tpu.memory_space<hbm>> -> memref<1600xi32, #tpu.memory_space<hbm>>
      tpu.wait_dma2 semaphore(%arg7 : memref<!tpu.dma_semaphore, #tpu.memory_space<semaphore_mem>>) src(%dma_wait3A_326 : memref<1600xi32, #tpu.memory_space<hbm>>) dst(%dma_wait3A_325 : memref<1600xi32, #tpu.memory_space<vmem>>)
      %add3A_327 = arith.constant 0 : i32
      %add3A_328 = arith.addi %mul3A_312, %add3A_327 : i32
      %mul3A_329 = arith.constant 1600 : i32
      %mul3A_330 = arith.muli %add3A_328, %mul3A_329 : i32
      %add3A_331 = arith.addi %mul3A_2, %mul3A_330 : i32
      %dma_wait3A_332 = arith.constant 0 : i32
      %dma_wait3A_333 = arith.constant 0 : i32
      %dma_wait3A_334 = arith.constant 0 : i32
      %dma_wait3A_335 = tpu.memref_slice %arg6[%dma_wait3A_332, %dma_wait3A_333, %dma_wait3A_334] : memref<2x1600x32xf32, #tpu.memory_space<vmem>> -> memref<1x1600x32xf32, #tpu.memory_space<vmem>>
      %dma_wait3A_336 = tpu.memref_squeeze %dma_wait3A_335 : memref<1x1600x32xf32, #tpu.memory_space<vmem>> -> memref<1600x32xf32, #tpu.memory_space<vmem>>
      %dma_wait3A_337 = arith.constant 0 : i32
      %dma_wait3A_338 = tpu.memref_slice %arg4[%add3A_331, %dma_wait3A_337] : memref<3276800x32xf32, #tpu.memory_space<hbm>> -> memref<1600x32xf32, #tpu.memory_space<hbm>>
      %dma_wait3A_339 = arith.constant 0 : i32
      %dma_wait3A_340 = tpu.memref_slice %arg4[%add3A_331, %dma_wait3A_339] : memref<3276800x32xf32, #tpu.memory_space<hbm>> -> memref<1600x32xf32, #tpu.memory_space<hbm>>
      %dma_wait3A_341 = arith.constant 0 : i32
      %dma_wait3A_342 = arith.constant 0 : i32
      %dma_wait3A_343 = tpu.memref_slice %arg6[%dma_wait3A_332, %dma_wait3A_341, %dma_wait3A_342] : memref<2x1600x32xf32, #tpu.memory_space<vmem>> -> memref<1x1600x32xf32, #tpu.memory_space<vmem>>
      %dma_wait3A_344 = tpu.memref_squeeze %dma_wait3A_343 : memref<1x1600x32xf32, #tpu.memory_space<vmem>> -> memref<1600x32xf32, #tpu.memory_space<vmem>>
      tpu.wait_dma2 semaphore(%arg11 : memref<!tpu.dma_semaphore, #tpu.memory_space<semaphore_mem>>) src(%dma_wait3A_344 : memref<1600x32xf32, #tpu.memory_space<vmem>>) dst(%dma_wait3A_340 : memref<1600x32xf32, #tpu.memory_space<hbm>>)
      %dma_start3A_345 = arith.constant 0 : i32
      %dma_start3A_346 = arith.constant 0 : i32
      %dma_start3A_347 = arith.constant 0 : i32
      %dma_start3A_348 = arith.constant 0 : i32
      %dma_start3A_349 = tpu.memref_slice %arg6[%dma_start3A_346, %dma_start3A_347, %dma_start3A_348] : memref<2x1600x32xf32, #tpu.memory_space<vmem>> -> memref<1x1600x32xf32, #tpu.memory_space<vmem>>
      %dma_start3A_350 = tpu.memref_squeeze %dma_start3A_349 : memref<1x1600x32xf32, #tpu.memory_space<vmem>> -> memref<1600x32xf32, #tpu.memory_space<vmem>>
      %dma_start3A_351 = arith.constant 0 : i32
      %dma_start3A_352 = tpu.memref_slice %arg5[%dma_start3A_345, %dma_start3A_351] : memref<2x1600xi32, #tpu.memory_space<vmem>> -> memref<1x1600xi32, #tpu.memory_space<vmem>>
      %dma_start3A_353 = tpu.memref_squeeze %dma_start3A_352 : memref<1x1600xi32, #tpu.memory_space<vmem>> -> memref<1600xi32, #tpu.memory_space<vmem>>
      %dma_start3A_354 = arith.constant 0 : i32
      %dma_start3A_355 = arith.constant 0 : i32
      %dma_start3A_356 = tpu.memref_slice %arg3[%dma_start3A_354, %dma_start3A_355] : memref<1000000x32xf32, #tpu.memory_space<hbm>> -> memref<1000000x32xf32, #tpu.memory_space<hbm>>
      tpu.enqueue_indirect_dma source(%dma_start3A_356 : memref<1000000x32xf32, #tpu.memory_space<hbm>>) target(%dma_start3A_350 : memref<1600x32xf32, #tpu.memory_space<vmem>>) offsets(%dma_start3A_353 : memref<1600xi32, #tpu.memory_space<vmem>>) semaphore(%arg9 : memref<!tpu.dma_semaphore, #tpu.memory_space<semaphore_mem>>)
      %add3A_357 = arith.constant 1 : i32
      %add3A_358 = arith.addi %mul3A_312, %add3A_357 : i32
      %mul3A_359 = arith.constant 1600 : i32
      %mul3A_360 = arith.muli %add3A_358, %mul3A_359 : i32
      %add3A_361 = arith.addi %mul3A_2, %mul3A_360 : i32
      %dma_wait3A_362 = arith.constant 1 : i32
      %dma_wait3A_363 = arith.constant 0 : i32
      %dma_wait3A_364 = tpu.memref_slice %arg5[%dma_wait3A_362, %dma_wait3A_363] : memref<2x1600xi32, #tpu.memory_space<vmem>> -> memref<1x1600xi32, #tpu.memory_space<vmem>>
      %dma_wait3A_365 = tpu.memref_squeeze %dma_wait3A_364 : memref<1x1600xi32, #tpu.memory_space<vmem>> -> memref<1600xi32, #tpu.memory_space<vmem>>
      %dma_wait3A_366 = tpu.memref_slice %arg2[%add3A_361] : memref<3276800xi32, #tpu.memory_space<hbm>> -> memref<1600xi32, #tpu.memory_space<hbm>>
      %dma_wait3A_367 = arith.constant 0 : i32
      %dma_wait3A_368 = tpu.memref_slice %arg5[%dma_wait3A_362, %dma_wait3A_367] : memref<2x1600xi32, #tpu.memory_space<vmem>> -> memref<1x1600xi32, #tpu.memory_space<vmem>>
      %dma_wait3A_369 = tpu.memref_squeeze %dma_wait3A_368 : memref<1x1600xi32, #tpu.memory_space<vmem>> -> memref<1600xi32, #tpu.memory_space<vmem>>
      %dma_wait3A_370 = tpu.memref_slice %arg2[%add3A_361] : memref<3276800xi32, #tpu.memory_space<hbm>> -> memref<1600xi32, #tpu.memory_space<hbm>>
      tpu.wait_dma2 semaphore(%arg8 : memref<!tpu.dma_semaphore, #tpu.memory_space<semaphore_mem>>) src(%dma_wait3A_370 : memref<1600xi32, #tpu.memory_space<hbm>>) dst(%dma_wait3A_369 : memref<1600xi32, #tpu.memory_space<vmem>>)
      %add3A_371 = arith.constant 1 : i32
      %add3A_372 = arith.addi %mul3A_312, %add3A_371 : i32
      %mul3A_373 = arith.constant 1600 : i32
      %mul3A_374 = arith.muli %add3A_372, %mul3A_373 : i32
      %add3A_375 = arith.addi %mul3A_2, %mul3A_374 : i32
      %dma_wait3A_376 = arith.constant 1 : i32
      %dma_wait3A_377 = arith.constant 0 : i32
      %dma_wait3A_378 = arith.constant 0 : i32
      %dma_wait3A_379 = tpu.memref_slice %arg6[%dma_wait3A_376, %dma_wait3A_377, %dma_wait3A_378] : memref<2x1600x32xf32, #tpu.memory_space<vmem>> -> memref<1x1600x32xf32, #tpu.memory_space<vmem>>
      %dma_wait3A_380 = tpu.memref_squeeze %dma_wait3A_379 : memref<1x1600x32xf32, #tpu.memory_space<vmem>> -> memref<1600x32xf32, #tpu.memory_space<vmem>>
      %dma_wait3A_381 = arith.constant 0 : i32
      %dma_wait3A_382 = tpu.memref_slice %arg4[%add3A_375, %dma_wait3A_381] : memref<3276800x32xf32, #tpu.memory_space<hbm>> -> memref<1600x32xf32, #tpu.memory_space<hbm>>
      %dma_wait3A_383 = arith.constant 0 : i32
      %dma_wait3A_384 = tpu.memref_slice %arg4[%add3A_375, %dma_wait3A_383] : memref<3276800x32xf32, #tpu.memory_space<hbm>> -> memref<1600x32xf32, #tpu.memory_space<hbm>>
      %dma_wait3A_385 = arith.constant 0 : i32
      %dma_wait3A_386 = arith.constant 0 : i32
      %dma_wait3A_387 = tpu.memref_slice %arg6[%dma_wait3A_376, %dma_wait3A_385, %dma_wait3A_386] : memref<2x1600x32xf32, #tpu.memory_space<vmem>> -> memref<1x1600x32xf32, #tpu.memory_space<vmem>>
      %dma_wait3A_388 = tpu.memref_squeeze %dma_wait3A_387 : memref<1x1600x32xf32, #tpu.memory_space<vmem>> -> memref<1600x32xf32, #tpu.memory_space<vmem>>
      tpu.wait_dma2 semaphore(%arg12 : memref<!tpu.dma_semaphore, #tpu.memory_space<semaphore_mem>>) src(%dma_wait3A_388 : memref<1600x32xf32, #tpu.memory_space<vmem>>) dst(%dma_wait3A_384 : memref<1600x32xf32, #tpu.memory_space<hbm>>)
      %dma_start3A_389 = arith.constant 1 : i32
      %dma_start3A_390 = arith.constant 1 : i32
      %dma_start3A_391 = arith.constant 0 : i32
      %dma_start3A_392 = arith.constant 0 : i32
      %dma_start3A_393 = tpu.memref_slice %arg6[%dma_start3A_390, %dma_start3A_391, %dma_start3A_392] : memref<2x1600x32xf32, #tpu.memory_space<vmem>> -> memref<1x1600x32xf32, #tpu.memory_space<vmem>>
      %dma_start3A_394 = tpu.memref_squeeze %dma_start3A_393 : memref<1x1600x32xf32, #tpu.memory_space<vmem>> -> memref<1600x32xf32, #tpu.memory_space<vmem>>
      %dma_start3A_395 = arith.constant 0 : i32
      %dma_start3A_396 = tpu.memref_slice %arg5[%dma_start3A_389, %dma_start3A_395] : memref<2x1600xi32, #tpu.memory_space<vmem>> -> memref<1x1600xi32, #tpu.memory_space<vmem>>
      %dma_start3A_397 = tpu.memref_squeeze %dma_start3A_396 : memref<1x1600xi32, #tpu.memory_space<vmem>> -> memref<1600xi32, #tpu.memory_space<vmem>>
      %dma_start3A_398 = arith.constant 0 : i32
      %dma_start3A_399 = arith.constant 0 : i32
      %dma_start3A_400 = tpu.memref_slice %arg3[%dma_start3A_398, %dma_start3A_399] : memref<1000000x32xf32, #tpu.memory_space<hbm>> -> memref<1000000x32xf32, #tpu.memory_space<hbm>>
      tpu.enqueue_indirect_dma source(%dma_start3A_400 : memref<1000000x32xf32, #tpu.memory_space<hbm>>) target(%dma_start3A_394 : memref<1600x32xf32, #tpu.memory_space<vmem>>) offsets(%dma_start3A_397 : memref<1600xi32, #tpu.memory_space<vmem>>) semaphore(%arg10 : memref<!tpu.dma_semaphore, #tpu.memory_space<semaphore_mem>>)
      %dma_wait3A_401 = arith.constant 0 : i32
      %dma_wait3A_402 = arith.constant 0 : i32
      %dma_wait3A_403 = arith.constant 0 : i32
      %dma_wait3A_404 = arith.constant 0 : i32
      %dma_wait3A_405 = tpu.memref_slice %arg6[%dma_wait3A_402, %dma_wait3A_403, %dma_wait3A_404] : memref<2x1600x32xf32, #tpu.memory_space<vmem>> -> memref<1x1600x32xf32, #tpu.memory_space<vmem>>
      %dma_wait3A_406 = tpu.memref_squeeze %dma_wait3A_405 : memref<1x1600x32xf32, #tpu.memory_space<vmem>> -> memref<1600x32xf32, #tpu.memory_space<vmem>>
      %dma_wait3A_407 = arith.constant 0 : i32
      %dma_wait3A_408 = tpu.memref_slice %arg5[%dma_wait3A_401, %dma_wait3A_407] : memref<2x1600xi32, #tpu.memory_space<vmem>> -> memref<1x1600xi32, #tpu.memory_space<vmem>>
      %dma_wait3A_409 = tpu.memref_squeeze %dma_wait3A_408 : memref<1x1600xi32, #tpu.memory_space<vmem>> -> memref<1600xi32, #tpu.memory_space<vmem>>
      %dma_wait3A_410 = arith.constant 0 : i32
      %dma_wait3A_411 = arith.constant 0 : i32
      %dma_wait3A_412 = tpu.memref_slice %arg3[%dma_wait3A_410, %dma_wait3A_411] : memref<1000000x32xf32, #tpu.memory_space<hbm>> -> memref<1000000x32xf32, #tpu.memory_space<hbm>>
      tpu.wait_indirect_dma semaphore(%arg9 : memref<!tpu.dma_semaphore, #tpu.memory_space<semaphore_mem>>) src(%dma_wait3A_412 : memref<1000000x32xf32, #tpu.memory_space<hbm>>) dst(%dma_wait3A_406 : memref<1600x32xf32, #tpu.memory_space<vmem>>)
      %add3A_413 = arith.constant 0 : i32
      %add3A_414 = arith.addi %mul3A_312, %add3A_413 : i32
      %mul3A_415 = arith.constant 1600 : i32
      %mul3A_416 = arith.muli %add3A_414, %mul3A_415 : i32
      %add3A_417 = arith.addi %mul3A_2, %mul3A_416 : i32
      %dma_start3A_418 = arith.constant 0 : i32
      %dma_start3A_419 = arith.constant 0 : i32
      %dma_start3A_420 = arith.constant 0 : i32
      %dma_start3A_421 = tpu.memref_slice %arg6[%dma_start3A_418, %dma_start3A_419, %dma_start3A_420] : memref<2x1600x32xf32, #tpu.memory_space<vmem>> -> memref<1x1600x32xf32, #tpu.memory_space<vmem>>
      %dma_start3A_422 = tpu.memref_squeeze %dma_start3A_421 : memref<1x1600x32xf32, #tpu.memory_space<vmem>> -> memref<1600x32xf32, #tpu.memory_space<vmem>>
      %dma_start3A_423 = arith.constant 0 : i32
      %dma_start3A_424 = tpu.memref_slice %arg4[%add3A_417, %dma_start3A_423] : memref<3276800x32xf32, #tpu.memory_space<hbm>> -> memref<1600x32xf32, #tpu.memory_space<hbm>>
      %dma_start3A_425 = arith.constant 0 : i32
      %dma_start3A_426 = tpu.memref_slice %arg4[%add3A_417, %dma_start3A_425] : memref<3276800x32xf32, #tpu.memory_space<hbm>> -> memref<1600x32xf32, #tpu.memory_space<hbm>>
      %dma_start3A_427 = arith.constant 0 : i32
      %dma_start3A_428 = arith.constant 0 : i32
      %dma_start3A_429 = tpu.memref_slice %arg6[%dma_start3A_418, %dma_start3A_427, %dma_start3A_428] : memref<2x1600x32xf32, #tpu.memory_space<vmem>> -> memref<1x1600x32xf32, #tpu.memory_space<vmem>>
      %dma_start3A_430 = tpu.memref_squeeze %dma_start3A_429 : memref<1x1600x32xf32, #tpu.memory_space<vmem>> -> memref<1600x32xf32, #tpu.memory_space<vmem>>
      tpu.enqueue_dma source(%dma_start3A_430 : memref<1600x32xf32, #tpu.memory_space<vmem>>) target(%dma_start3A_426 : memref<1600x32xf32, #tpu.memory_space<hbm>>) target_semaphore(%arg11 : memref<!tpu.dma_semaphore, #tpu.memory_space<semaphore_mem>>)
      %add3A_431 = arith.constant 2 : i32
      %add3A_432 = arith.addi %mul3A_312, %add3A_431 : i32
      %add3A_433 = arith.constant 0 : i32
      %add3A_434 = arith.addi %add3A_432, %add3A_433 : i32
      %mul3A_435 = arith.constant 1600 : i32
      %mul3A_436 = arith.muli %add3A_434, %mul3A_435 : i32
      %add3A_437 = arith.addi %mul3A_2, %mul3A_436 : i32
      %dma_start3A_438 = arith.constant 0 : i32
      %dma_start3A_439 = arith.constant 0 : i32
      %dma_start3A_440 = tpu.memref_slice %arg5[%dma_start3A_438, %dma_start3A_439] : memref<2x1600xi32, #tpu.memory_space<vmem>> -> memref<1x1600xi32, #tpu.memory_space<vmem>>
      %dma_start3A_441 = tpu.memref_squeeze %dma_start3A_440 : memref<1x1600xi32, #tpu.memory_space<vmem>> -> memref<1600xi32, #tpu.memory_space<vmem>>
      %dma_start3A_442 = tpu.memref_slice %arg2[%add3A_437] : memref<3276800xi32, #tpu.memory_space<hbm>> -> memref<1600xi32, #tpu.memory_space<hbm>>
      %dma_start3A_443 = arith.constant 0 : i32
      %dma_start3A_444 = tpu.memref_slice %arg5[%dma_start3A_438, %dma_start3A_443] : memref<2x1600xi32, #tpu.memory_space<vmem>> -> memref<1x1600xi32, #tpu.memory_space<vmem>>
      %dma_start3A_445 = tpu.memref_squeeze %dma_start3A_444 : memref<1x1600xi32, #tpu.memory_space<vmem>> -> memref<1600xi32, #tpu.memory_space<vmem>>
      %dma_start3A_446 = tpu.memref_slice %arg2[%add3A_437] : memref<3276800xi32, #tpu.memory_space<hbm>> -> memref<1600xi32, #tpu.memory_space<hbm>>
      tpu.enqueue_dma source(%dma_start3A_446 : memref<1600xi32, #tpu.memory_space<hbm>>) target(%dma_start3A_445 : memref<1600xi32, #tpu.memory_space<vmem>>) target_semaphore(%arg7 : memref<!tpu.dma_semaphore, #tpu.memory_space<semaphore_mem>>)
      %dma_wait3A_447 = arith.constant 1 : i32
      %dma_wait3A_448 = arith.constant 1 : i32
      %dma_wait3A_449 = arith.constant 0 : i32
      %dma_wait3A_450 = arith.constant 0 : i32
      %dma_wait3A_451 = tpu.memref_slice %arg6[%dma_wait3A_448, %dma_wait3A_449, %dma_wait3A_450] : memref<2x1600x32xf32, #tpu.memory_space<vmem>> -> memref<1x1600x32xf32, #tpu.memory_space<vmem>>
      %dma_wait3A_452 = tpu.memref_squeeze %dma_wait3A_451 : memref<1x1600x32xf32, #tpu.memory_space<vmem>> -> memref<1600x32xf32, #tpu.memory_space<vmem>>
      %dma_wait3A_453 = arith.constant 0 : i32
      %dma_wait3A_454 = tpu.memref_slice %arg5[%dma_wait3A_447, %dma_wait3A_453] : memref<2x1600xi32, #tpu.memory_space<vmem>> -> memref<1x1600xi32, #tpu.memory_space<vmem>>
      %dma_wait3A_455 = tpu.memref_squeeze %dma_wait3A_454 : memref<1x1600xi32, #tpu.memory_space<vmem>> -> memref<1600xi32, #tpu.memory_space<vmem>>
      %dma_wait3A_456 = arith.constant 0 : i32
      %dma_wait3A_457 = arith.constant 0 : i32
      %dma_wait3A_458 = tpu.memref_slice %arg3[%dma_wait3A_456, %dma_wait3A_457] : memref<1000000x32xf32, #tpu.memory_space<hbm>> -> memref<1000000x32xf32, #tpu.memory_space<hbm>>
      tpu.wait_indirect_dma semaphore(%arg10 : memref<!tpu.dma_semaphore, #tpu.memory_space<semaphore_mem>>) src(%dma_wait3A_458 : memref<1000000x32xf32, #tpu.memory_space<hbm>>) dst(%dma_wait3A_452 : memref<1600x32xf32, #tpu.memory_space<vmem>>)
      %add3A_459 = arith.constant 1 : i32
      %add3A_460 = arith.addi %mul3A_312, %add3A_459 : i32
      %mul3A_461 = arith.constant 1600 : i32
      %mul3A_462 = arith.muli %add3A_460, %mul3A_461 : i32
      %add3A_463 = arith.addi %mul3A_2, %mul3A_462 : i32
      %dma_start3A_464 = arith.constant 1 : i32
      %dma_start3A_465 = arith.constant 0 : i32
      %dma_start3A_466 = arith.constant 0 : i32
      %dma_start3A_467 = tpu.memref_slice %arg6[%dma_start3A_464, %dma_start3A_465, %dma_start3A_466] : memref<2x1600x32xf32, #tpu.memory_space<vmem>> -> memref<1x1600x32xf32, #tpu.memory_space<vmem>>
      %dma_start3A_468 = tpu.memref_squeeze %dma_start3A_467 : memref<1x1600x32xf32, #tpu.memory_space<vmem>> -> memref<1600x32xf32, #tpu.memory_space<vmem>>
      %dma_start3A_469 = arith.constant 0 : i32
      %dma_start3A_470 = tpu.memref_slice %arg4[%add3A_463, %dma_start3A_469] : memref<3276800x32xf32, #tpu.memory_space<hbm>> -> memref<1600x32xf32, #tpu.memory_space<hbm>>
      %dma_start3A_471 = arith.constant 0 : i32
      %dma_start3A_472 = tpu.memref_slice %arg4[%add3A_463, %dma_start3A_471] : memref<3276800x32xf32, #tpu.memory_space<hbm>> -> memref<1600x32xf32, #tpu.memory_space<hbm>>
      %dma_start3A_473 = arith.constant 0 : i32
      %dma_start3A_474 = arith.constant 0 : i32
      %dma_start3A_475 = tpu.memref_slice %arg6[%dma_start3A_464, %dma_start3A_473, %dma_start3A_474] : memref<2x1600x32xf32, #tpu.memory_space<vmem>> -> memref<1x1600x32xf32, #tpu.memory_space<vmem>>
      %dma_start3A_476 = tpu.memref_squeeze %dma_start3A_475 : memref<1x1600x32xf32, #tpu.memory_space<vmem>> -> memref<1600x32xf32, #tpu.memory_space<vmem>>
      tpu.enqueue_dma source(%dma_start3A_476 : memref<1600x32xf32, #tpu.memory_space<vmem>>) target(%dma_start3A_472 : memref<1600x32xf32, #tpu.memory_space<hbm>>) target_semaphore(%arg12 : memref<!tpu.dma_semaphore, #tpu.memory_space<semaphore_mem>>)
      %add3A_477 = arith.constant 2 : i32
      %add3A_478 = arith.addi %mul3A_312, %add3A_477 : i32
      %add3A_479 = arith.constant 1 : i32
      %add3A_480 = arith.addi %add3A_478, %add3A_479 : i32
      %mul3A_481 = arith.constant 1600 : i32
      %mul3A_482 = arith.muli %add3A_480, %mul3A_481 : i32
      %add3A_483 = arith.addi %mul3A_2, %mul3A_482 : i32
      %dma_start3A_484 = arith.constant 1 : i32
      %dma_start3A_485 = arith.constant 0 : i32
      %dma_start3A_486 = tpu.memref_slice %arg5[%dma_start3A_484, %dma_start3A_485] : memref<2x1600xi32, #tpu.memory_space<vmem>> -> memref<1x1600xi32, #tpu.memory_space<vmem>>
      %dma_start3A_487 = tpu.memref_squeeze %dma_start3A_486 : memref<1x1600xi32, #tpu.memory_space<vmem>> -> memref<1600xi32, #tpu.memory_space<vmem>>
      %dma_start3A_488 = tpu.memref_slice %arg2[%add3A_483] : memref<3276800xi32, #tpu.memory_space<hbm>> -> memref<1600xi32, #tpu.memory_space<hbm>>
      %dma_start3A_489 = arith.constant 0 : i32
      %dma_start3A_490 = tpu.memref_slice %arg5[%dma_start3A_484, %dma_start3A_489] : memref<2x1600xi32, #tpu.memory_space<vmem>> -> memref<1x1600xi32, #tpu.memory_space<vmem>>
      %dma_start3A_491 = tpu.memref_squeeze %dma_start3A_490 : memref<1x1600xi32, #tpu.memory_space<vmem>> -> memref<1600xi32, #tpu.memory_space<vmem>>
      %dma_start3A_492 = tpu.memref_slice %arg2[%add3A_483] : memref<3276800xi32, #tpu.memory_space<hbm>> -> memref<1600xi32, #tpu.memory_space<hbm>>
      tpu.enqueue_dma source(%dma_start3A_492 : memref<1600xi32, #tpu.memory_space<hbm>>) target(%dma_start3A_491 : memref<1600xi32, #tpu.memory_space<vmem>>) target_semaphore(%arg8 : memref<!tpu.dma_semaphore, #tpu.memory_space<semaphore_mem>>)
    }
    %scan3A_149 = arith.constant 30 : i32
    %add3A_150 = arith.constant 99200 : i32
    %add3A_151 = arith.addi %mul3A_2, %add3A_150 : i32
    %dma_wait3A_152 = arith.constant 0 : i32
    %dma_wait3A_153 = arith.constant 0 : i32
    %dma_wait3A_154 = tpu.memref_slice %arg5[%dma_wait3A_152, %dma_wait3A_153] : memref<2x1600xi32, #tpu.memory_space<vmem>> -> memref<1x1600xi32, #tpu.memory_space<vmem>>
    %dma_wait3A_155 = tpu.memref_squeeze %dma_wait3A_154 : memref<1x1600xi32, #tpu.memory_space<vmem>> -> memref<1600xi32, #tpu.memory_space<vmem>>
    %dma_wait3A_156 = tpu.memref_slice %arg2[%add3A_151] : memref<3276800xi32, #tpu.memory_space<hbm>> -> memref<1600xi32, #tpu.memory_space<hbm>>
    %dma_wait3A_157 = arith.constant 0 : i32
    %dma_wait3A_158 = tpu.memref_slice %arg5[%dma_wait3A_152, %dma_wait3A_157] : memref<2x1600xi32, #tpu.memory_space<vmem>> -> memref<1x1600xi32, #tpu.memory_space<vmem>>
    %dma_wait3A_159 = tpu.memref_squeeze %dma_wait3A_158 : memref<1x1600xi32, #tpu.memory_space<vmem>> -> memref<1600xi32, #tpu.memory_space<vmem>>
    %dma_wait3A_160 = tpu.memref_slice %arg2[%add3A_151] : memref<3276800xi32, #tpu.memory_space<hbm>> -> memref<1600xi32, #tpu.memory_space<hbm>>
    tpu.wait_dma2 semaphore(%arg7 : memref<!tpu.dma_semaphore, #tpu.memory_space<semaphore_mem>>) src(%dma_wait3A_160 : memref<1600xi32, #tpu.memory_space<hbm>>) dst(%dma_wait3A_159 : memref<1600xi32, #tpu.memory_space<vmem>>)
    %add3A_161 = arith.constant 99200 : i32
    %add3A_162 = arith.addi %mul3A_2, %add3A_161 : i32
    %dma_wait3A_163 = arith.constant 0 : i32
    %dma_wait3A_164 = arith.constant 0 : i32
    %dma_wait3A_165 = arith.constant 0 : i32
    %dma_wait3A_166 = tpu.memref_slice %arg6[%dma_wait3A_163, %dma_wait3A_164, %dma_wait3A_165] : memref<2x1600x32xf32, #tpu.memory_space<vmem>> -> memref<1x1600x32xf32, #tpu.memory_space<vmem>>
    %dma_wait3A_167 = tpu.memref_squeeze %dma_wait3A_166 : memref<1x1600x32xf32, #tpu.memory_space<vmem>> -> memref<1600x32xf32, #tpu.memory_space<vmem>>
    %dma_wait3A_168 = arith.constant 0 : i32
    %dma_wait3A_169 = tpu.memref_slice %arg4[%add3A_162, %dma_wait3A_168] : memref<3276800x32xf32, #tpu.memory_space<hbm>> -> memref<1600x32xf32, #tpu.memory_space<hbm>>
    %dma_wait3A_170 = arith.constant 0 : i32
    %dma_wait3A_171 = tpu.memref_slice %arg4[%add3A_162, %dma_wait3A_170] : memref<3276800x32xf32, #tpu.memory_space<hbm>> -> memref<1600x32xf32, #tpu.memory_space<hbm>>
    %dma_wait3A_172 = arith.constant 0 : i32
    %dma_wait3A_173 = arith.constant 0 : i32
    %dma_wait3A_174 = tpu.memref_slice %arg6[%dma_wait3A_163, %dma_wait3A_172, %dma_wait3A_173] : memref<2x1600x32xf32, #tpu.memory_space<vmem>> -> memref<1x1600x32xf32, #tpu.memory_space<vmem>>
    %dma_wait3A_175 = tpu.memref_squeeze %dma_wait3A_174 : memref<1x1600x32xf32, #tpu.memory_space<vmem>> -> memref<1600x32xf32, #tpu.memory_space<vmem>>
    tpu.wait_dma2 semaphore(%arg11 : memref<!tpu.dma_semaphore, #tpu.memory_space<semaphore_mem>>) src(%dma_wait3A_175 : memref<1600x32xf32, #tpu.memory_space<vmem>>) dst(%dma_wait3A_171 : memref<1600x32xf32, #tpu.memory_space<hbm>>)
    %dma_start3A_176 = arith.constant 0 : i32
    %dma_start3A_177 = arith.constant 0 : i32
    %dma_start3A_178 = arith.constant 0 : i32
    %dma_start3A_179 = arith.constant 0 : i32
    %dma_start3A_180 = tpu.memref_slice %arg6[%dma_start3A_177, %dma_start3A_178, %dma_start3A_179] : memref<2x1600x32xf32, #tpu.memory_space<vmem>> -> memref<1x1600x32xf32, #tpu.memory_space<vmem>>
    %dma_start3A_181 = tpu.memref_squeeze %dma_start3A_180 : memref<1x1600x32xf32, #tpu.memory_space<vmem>> -> memref<1600x32xf32, #tpu.memory_space<vmem>>
    %dma_start3A_182 = arith.constant 0 : i32
    %dma_start3A_183 = tpu.memref_slice %arg5[%dma_start3A_176, %dma_start3A_182] : memref<2x1600xi32, #tpu.memory_space<vmem>> -> memref<1x1600xi32, #tpu.memory_space<vmem>>
    %dma_start3A_184 = tpu.memref_squeeze %dma_start3A_183 : memref<1x1600xi32, #tpu.memory_space<vmem>> -> memref<1600xi32, #tpu.memory_space<vmem>>
    %dma_start3A_185 = arith.constant 0 : i32
    %dma_start3A_186 = arith.constant 0 : i32
    %dma_start3A_187 = tpu.memref_slice %arg3[%dma_start3A_185, %dma_start3A_186] : memref<1000000x32xf32, #tpu.memory_space<hbm>> -> memref<1000000x32xf32, #tpu.memory_space<hbm>>
    tpu.enqueue_indirect_dma source(%dma_start3A_187 : memref<1000000x32xf32, #tpu.memory_space<hbm>>) target(%dma_start3A_181 : memref<1600x32xf32, #tpu.memory_space<vmem>>) offsets(%dma_start3A_184 : memref<1600xi32, #tpu.memory_space<vmem>>) semaphore(%arg9 : memref<!tpu.dma_semaphore, #tpu.memory_space<semaphore_mem>>)
    %add3A_188 = arith.constant 100800 : i32
    %add3A_189 = arith.addi %mul3A_2, %add3A_188 : i32
    %dma_wait3A_190 = arith.constant 1 : i32
    %dma_wait3A_191 = arith.constant 0 : i32
    %dma_wait3A_192 = tpu.memref_slice %arg5[%dma_wait3A_190, %dma_wait3A_191] : memref<2x1600xi32, #tpu.memory_space<vmem>> -> memref<1x1600xi32, #tpu.memory_space<vmem>>
    %dma_wait3A_193 = tpu.memref_squeeze %dma_wait3A_192 : memref<1x1600xi32, #tpu.memory_space<vmem>> -> memref<1600xi32, #tpu.memory_space<vmem>>
    %dma_wait3A_194 = tpu.memref_slice %arg2[%add3A_189] : memref<3276800xi32, #tpu.memory_space<hbm>> -> memref<1600xi32, #tpu.memory_space<hbm>>
    %dma_wait3A_195 = arith.constant 0 : i32
    %dma_wait3A_196 = tpu.memref_slice %arg5[%dma_wait3A_190, %dma_wait3A_195] : memref<2x1600xi32, #tpu.memory_space<vmem>> -> memref<1x1600xi32, #tpu.memory_space<vmem>>
    %dma_wait3A_197 = tpu.memref_squeeze %dma_wait3A_196 : memref<1x1600xi32, #tpu.memory_space<vmem>> -> memref<1600xi32, #tpu.memory_space<vmem>>
    %dma_wait3A_198 = tpu.memref_slice %arg2[%add3A_189] : memref<3276800xi32, #tpu.memory_space<hbm>> -> memref<1600xi32, #tpu.memory_space<hbm>>
    tpu.wait_dma2 semaphore(%arg8 : memref<!tpu.dma_semaphore, #tpu.memory_space<semaphore_mem>>) src(%dma_wait3A_198 : memref<1600xi32, #tpu.memory_space<hbm>>) dst(%dma_wait3A_197 : memref<1600xi32, #tpu.memory_space<vmem>>)
    %add3A_199 = arith.constant 100800 : i32
    %add3A_200 = arith.addi %mul3A_2, %add3A_199 : i32
    %dma_wait3A_201 = arith.constant 1 : i32
    %dma_wait3A_202 = arith.constant 0 : i32
    %dma_wait3A_203 = arith.constant 0 : i32
    %dma_wait3A_204 = tpu.memref_slice %arg6[%dma_wait3A_201, %dma_wait3A_202, %dma_wait3A_203] : memref<2x1600x32xf32, #tpu.memory_space<vmem>> -> memref<1x1600x32xf32, #tpu.memory_space<vmem>>
    %dma_wait3A_205 = tpu.memref_squeeze %dma_wait3A_204 : memref<1x1600x32xf32, #tpu.memory_space<vmem>> -> memref<1600x32xf32, #tpu.memory_space<vmem>>
    %dma_wait3A_206 = arith.constant 0 : i32
    %dma_wait3A_207 = tpu.memref_slice %arg4[%add3A_200, %dma_wait3A_206] : memref<3276800x32xf32, #tpu.memory_space<hbm>> -> memref<1600x32xf32, #tpu.memory_space<hbm>>
    %dma_wait3A_208 = arith.constant 0 : i32
    %dma_wait3A_209 = tpu.memref_slice %arg4[%add3A_200, %dma_wait3A_208] : memref<3276800x32xf32, #tpu.memory_space<hbm>> -> memref<1600x32xf32, #tpu.memory_space<hbm>>
    %dma_wait3A_210 = arith.constant 0 : i32
    %dma_wait3A_211 = arith.constant 0 : i32
    %dma_wait3A_212 = tpu.memref_slice %arg6[%dma_wait3A_201, %dma_wait3A_210, %dma_wait3A_211] : memref<2x1600x32xf32, #tpu.memory_space<vmem>> -> memref<1x1600x32xf32, #tpu.memory_space<vmem>>
    %dma_wait3A_213 = tpu.memref_squeeze %dma_wait3A_212 : memref<1x1600x32xf32, #tpu.memory_space<vmem>> -> memref<1600x32xf32, #tpu.memory_space<vmem>>
    tpu.wait_dma2 semaphore(%arg12 : memref<!tpu.dma_semaphore, #tpu.memory_space<semaphore_mem>>) src(%dma_wait3A_213 : memref<1600x32xf32, #tpu.memory_space<vmem>>) dst(%dma_wait3A_209 : memref<1600x32xf32, #tpu.memory_space<hbm>>)
    %dma_start3A_214 = arith.constant 1 : i32
    %dma_start3A_215 = arith.constant 1 : i32
    %dma_start3A_216 = arith.constant 0 : i32
    %dma_start3A_217 = arith.constant 0 : i32
    %dma_start3A_218 = tpu.memref_slice %arg6[%dma_start3A_215, %dma_start3A_216, %dma_start3A_217] : memref<2x1600x32xf32, #tpu.memory_space<vmem>> -> memref<1x1600x32xf32, #tpu.memory_space<vmem>>
    %dma_start3A_219 = tpu.memref_squeeze %dma_start3A_218 : memref<1x1600x32xf32, #tpu.memory_space<vmem>> -> memref<1600x32xf32, #tpu.memory_space<vmem>>
    %dma_start3A_220 = arith.constant 0 : i32
    %dma_start3A_221 = tpu.memref_slice %arg5[%dma_start3A_214, %dma_start3A_220] : memref<2x1600xi32, #tpu.memory_space<vmem>> -> memref<1x1600xi32, #tpu.memory_space<vmem>>
    %dma_start3A_222 = tpu.memref_squeeze %dma_start3A_221 : memref<1x1600xi32, #tpu.memory_space<vmem>> -> memref<1600xi32, #tpu.memory_space<vmem>>
    %dma_start3A_223 = arith.constant 0 : i32
    %dma_start3A_224 = arith.constant 0 : i32
    %dma_start3A_225 = tpu.memref_slice %arg3[%dma_start3A_223, %dma_start3A_224] : memref<1000000x32xf32, #tpu.memory_space<hbm>> -> memref<1000000x32xf32, #tpu.memory_space<hbm>>
    tpu.enqueue_indirect_dma source(%dma_start3A_225 : memref<1000000x32xf32, #tpu.memory_space<hbm>>) target(%dma_start3A_219 : memref<1600x32xf32, #tpu.memory_space<vmem>>) offsets(%dma_start3A_222 : memref<1600xi32, #tpu.memory_space<vmem>>) semaphore(%arg10 : memref<!tpu.dma_semaphore, #tpu.memory_space<semaphore_mem>>)
    %dma_wait3A_226 = arith.constant 0 : i32
    %dma_wait3A_227 = arith.constant 0 : i32
    %dma_wait3A_228 = arith.constant 0 : i32
    %dma_wait3A_229 = arith.constant 0 : i32
    %dma_wait3A_230 = tpu.memref_slice %arg6[%dma_wait3A_227, %dma_wait3A_228, %dma_wait3A_229] : memref<2x1600x32xf32, #tpu.memory_space<vmem>> -> memref<1x1600x32xf32, #tpu.memory_space<vmem>>
    %dma_wait3A_231 = tpu.memref_squeeze %dma_wait3A_230 : memref<1x1600x32xf32, #tpu.memory_space<vmem>> -> memref<1600x32xf32, #tpu.memory_space<vmem>>
    %dma_wait3A_232 = arith.constant 0 : i32
    %dma_wait3A_233 = tpu.memref_slice %arg5[%dma_wait3A_226, %dma_wait3A_232] : memref<2x1600xi32, #tpu.memory_space<vmem>> -> memref<1x1600xi32, #tpu.memory_space<vmem>>
    %dma_wait3A_234 = tpu.memref_squeeze %dma_wait3A_233 : memref<1x1600xi32, #tpu.memory_space<vmem>> -> memref<1600xi32, #tpu.memory_space<vmem>>
    %dma_wait3A_235 = arith.constant 0 : i32
    %dma_wait3A_236 = arith.constant 0 : i32
    %dma_wait3A_237 = tpu.memref_slice %arg3[%dma_wait3A_235, %dma_wait3A_236] : memref<1000000x32xf32, #tpu.memory_space<hbm>> -> memref<1000000x32xf32, #tpu.memory_space<hbm>>
    tpu.wait_indirect_dma semaphore(%arg9 : memref<!tpu.dma_semaphore, #tpu.memory_space<semaphore_mem>>) src(%dma_wait3A_237 : memref<1000000x32xf32, #tpu.memory_space<hbm>>) dst(%dma_wait3A_231 : memref<1600x32xf32, #tpu.memory_space<vmem>>)
    %add3A_238 = arith.constant 99200 : i32
    %add3A_239 = arith.addi %mul3A_2, %add3A_238 : i32
    %dma_start3A_240 = arith.constant 0 : i32
    %dma_start3A_241 = arith.constant 0 : i32
    %dma_start3A_242 = arith.constant 0 : i32
    %dma_start3A_243 = tpu.memref_slice %arg6[%dma_start3A_240, %dma_start3A_241, %dma_start3A_242] : memref<2x1600x32xf32, #tpu.memory_space<vmem>> -> memref<1x1600x32xf32, #tpu.memory_space<vmem>>
    %dma_start3A_244 = tpu.memref_squeeze %dma_start3A_243 : memref<1x1600x32xf32, #tpu.memory_space<vmem>> -> memref<1600x32xf32, #tpu.memory_space<vmem>>
    %dma_start3A_245 = arith.constant 0 : i32
    %dma_start3A_246 = tpu.memref_slice %arg4[%add3A_239, %dma_start3A_245] : memref<3276800x32xf32, #tpu.memory_space<hbm>> -> memref<1600x32xf32, #tpu.memory_space<hbm>>
    %dma_start3A_247 = arith.constant 0 : i32
    %dma_start3A_248 = tpu.memref_slice %arg4[%add3A_239, %dma_start3A_247] : memref<3276800x32xf32, #tpu.memory_space<hbm>> -> memref<1600x32xf32, #tpu.memory_space<hbm>>
    %dma_start3A_249 = arith.constant 0 : i32
    %dma_start3A_250 = arith.constant 0 : i32
    %dma_start3A_251 = tpu.memref_slice %arg6[%dma_start3A_240, %dma_start3A_249, %dma_start3A_250] : memref<2x1600x32xf32, #tpu.memory_space<vmem>> -> memref<1x1600x32xf32, #tpu.memory_space<vmem>>
    %dma_start3A_252 = tpu.memref_squeeze %dma_start3A_251 : memref<1x1600x32xf32, #tpu.memory_space<vmem>> -> memref<1600x32xf32, #tpu.memory_space<vmem>>
    tpu.enqueue_dma source(%dma_start3A_252 : memref<1600x32xf32, #tpu.memory_space<vmem>>) target(%dma_start3A_248 : memref<1600x32xf32, #tpu.memory_space<hbm>>) target_semaphore(%arg11 : memref<!tpu.dma_semaphore, #tpu.memory_space<semaphore_mem>>)
    %dma_wait3A_253 = arith.constant 1 : i32
    %dma_wait3A_254 = arith.constant 1 : i32
    %dma_wait3A_255 = arith.constant 0 : i32
    %dma_wait3A_256 = arith.constant 0 : i32
    %dma_wait3A_257 = tpu.memref_slice %arg6[%dma_wait3A_254, %dma_wait3A_255, %dma_wait3A_256] : memref<2x1600x32xf32, #tpu.memory_space<vmem>> -> memref<1x1600x32xf32, #tpu.memory_space<vmem>>
    %dma_wait3A_258 = tpu.memref_squeeze %dma_wait3A_257 : memref<1x1600x32xf32, #tpu.memory_space<vmem>> -> memref<1600x32xf32, #tpu.memory_space<vmem>>
    %dma_wait3A_259 = arith.constant 0 : i32
    %dma_wait3A_260 = tpu.memref_slice %arg5[%dma_wait3A_253, %dma_wait3A_259] : memref<2x1600xi32, #tpu.memory_space<vmem>> -> memref<1x1600xi32, #tpu.memory_space<vmem>>
    %dma_wait3A_261 = tpu.memref_squeeze %dma_wait3A_260 : memref<1x1600xi32, #tpu.memory_space<vmem>> -> memref<1600xi32, #tpu.memory_space<vmem>>
    %dma_wait3A_262 = arith.constant 0 : i32
    %dma_wait3A_263 = arith.constant 0 : i32
    %dma_wait3A_264 = tpu.memref_slice %arg3[%dma_wait3A_262, %dma_wait3A_263] : memref<1000000x32xf32, #tpu.memory_space<hbm>> -> memref<1000000x32xf32, #tpu.memory_space<hbm>>
    tpu.wait_indirect_dma semaphore(%arg10 : memref<!tpu.dma_semaphore, #tpu.memory_space<semaphore_mem>>) src(%dma_wait3A_264 : memref<1000000x32xf32, #tpu.memory_space<hbm>>) dst(%dma_wait3A_258 : memref<1600x32xf32, #tpu.memory_space<vmem>>)
    %add3A_265 = arith.constant 100800 : i32
    %add3A_266 = arith.addi %mul3A_2, %add3A_265 : i32
    %dma_start3A_267 = arith.constant 1 : i32
    %dma_start3A_268 = arith.constant 0 : i32
    %dma_start3A_269 = arith.constant 0 : i32
    %dma_start3A_270 = tpu.memref_slice %arg6[%dma_start3A_267, %dma_start3A_268, %dma_start3A_269] : memref<2x1600x32xf32, #tpu.memory_space<vmem>> -> memref<1x1600x32xf32, #tpu.memory_space<vmem>>
    %dma_start3A_271 = tpu.memref_squeeze %dma_start3A_270 : memref<1x1600x32xf32, #tpu.memory_space<vmem>> -> memref<1600x32xf32, #tpu.memory_space<vmem>>
    %dma_start3A_272 = arith.constant 0 : i32
    %dma_start3A_273 = tpu.memref_slice %arg4[%add3A_266, %dma_start3A_272] : memref<3276800x32xf32, #tpu.memory_space<hbm>> -> memref<1600x32xf32, #tpu.memory_space<hbm>>
    %dma_start3A_274 = arith.constant 0 : i32
    %dma_start3A_275 = tpu.memref_slice %arg4[%add3A_266, %dma_start3A_274] : memref<3276800x32xf32, #tpu.memory_space<hbm>> -> memref<1600x32xf32, #tpu.memory_space<hbm>>
    %dma_start3A_276 = arith.constant 0 : i32
    %dma_start3A_277 = arith.constant 0 : i32
    %dma_start3A_278 = tpu.memref_slice %arg6[%dma_start3A_267, %dma_start3A_276, %dma_start3A_277] : memref<2x1600x32xf32, #tpu.memory_space<vmem>> -> memref<1x1600x32xf32, #tpu.memory_space<vmem>>
    %dma_start3A_279 = tpu.memref_squeeze %dma_start3A_278 : memref<1x1600x32xf32, #tpu.memory_space<vmem>> -> memref<1600x32xf32, #tpu.memory_space<vmem>>
    tpu.enqueue_dma source(%dma_start3A_279 : memref<1600x32xf32, #tpu.memory_space<vmem>>) target(%dma_start3A_275 : memref<1600x32xf32, #tpu.memory_space<hbm>>) target_semaphore(%arg12 : memref<!tpu.dma_semaphore, #tpu.memory_space<semaphore_mem>>)
    %add3A_280 = arith.constant 99200 : i32
    %add3A_281 = arith.addi %mul3A_2, %add3A_280 : i32
    %dma_wait3A_282 = arith.constant 0 : i32
    %dma_wait3A_283 = arith.constant 0 : i32
    %dma_wait3A_284 = arith.constant 0 : i32
    %dma_wait3A_285 = tpu.memref_slice %arg6[%dma_wait3A_282, %dma_wait3A_283, %dma_wait3A_284] : memref<2x1600x32xf32, #tpu.memory_space<vmem>> -> memref<1x1600x32xf32, #tpu.memory_space<vmem>>
    %dma_wait3A_286 = tpu.memref_squeeze %dma_wait3A_285 : memref<1x1600x32xf32, #tpu.memory_space<vmem>> -> memref<1600x32xf32, #tpu.memory_space<vmem>>
    %dma_wait3A_287 = arith.constant 0 : i32
    %dma_wait3A_288 = tpu.memref_slice %arg4[%add3A_281, %dma_wait3A_287] : memref<3276800x32xf32, #tpu.memory_space<hbm>> -> memref<1600x32xf32, #tpu.memory_space<hbm>>
    %dma_wait3A_289 = arith.constant 0 : i32
    %dma_wait3A_290 = tpu.memref_slice %arg4[%add3A_281, %dma_wait3A_289] : memref<3276800x32xf32, #tpu.memory_space<hbm>> -> memref<1600x32xf32, #tpu.memory_space<hbm>>
    %dma_wait3A_291 = arith.constant 0 : i32
    %dma_wait3A_292 = arith.constant 0 : i32
    %dma_wait3A_293 = tpu.memref_slice %arg6[%dma_wait3A_282, %dma_wait3A_291, %dma_wait3A_292] : memref<2x1600x32xf32, #tpu.memory_space<vmem>> -> memref<1x1600x32xf32, #tpu.memory_space<vmem>>
    %dma_wait3A_294 = tpu.memref_squeeze %dma_wait3A_293 : memref<1x1600x32xf32, #tpu.memory_space<vmem>> -> memref<1600x32xf32, #tpu.memory_space<vmem>>
    tpu.wait_dma2 semaphore(%arg11 : memref<!tpu.dma_semaphore, #tpu.memory_space<semaphore_mem>>) src(%dma_wait3A_294 : memref<1600x32xf32, #tpu.memory_space<vmem>>) dst(%dma_wait3A_290 : memref<1600x32xf32, #tpu.memory_space<hbm>>)
    %add3A_295 = arith.constant 100800 : i32
    %add3A_296 = arith.addi %mul3A_2, %add3A_295 : i32
    %dma_wait3A_297 = arith.constant 1 : i32
    %dma_wait3A_298 = arith.constant 0 : i32
    %dma_wait3A_299 = arith.constant 0 : i32
    %dma_wait3A_300 = tpu.memref_slice %arg6[%dma_wait3A_297, %dma_wait3A_298, %dma_wait3A_299] : memref<2x1600x32xf32, #tpu.memory_space<vmem>> -> memref<1x1600x32xf32, #tpu.memory_space<vmem>>
    %dma_wait3A_301 = tpu.memref_squeeze %dma_wait3A_300 : memref<1x1600x32xf32, #tpu.memory_space<vmem>> -> memref<1600x32xf32, #tpu.memory_space<vmem>>
    %dma_wait3A_302 = arith.constant 0 : i32
    %dma_wait3A_303 = tpu.memref_slice %arg4[%add3A_296, %dma_wait3A_302] : memref<3276800x32xf32, #tpu.memory_space<hbm>> -> memref<1600x32xf32, #tpu.memory_space<hbm>>
    %dma_wait3A_304 = arith.constant 0 : i32
    %dma_wait3A_305 = tpu.memref_slice %arg4[%add3A_296, %dma_wait3A_304] : memref<3276800x32xf32, #tpu.memory_space<hbm>> -> memref<1600x32xf32, #tpu.memory_space<hbm>>
    %dma_wait3A_306 = arith.constant 0 : i32
    %dma_wait3A_307 = arith.constant 0 : i32
    %dma_wait3A_308 = tpu.memref_slice %arg6[%dma_wait3A_297, %dma_wait3A_306, %dma_wait3A_307] : memref<2x1600x32xf32, #tpu.memory_space<vmem>> -> memref<1x1600x32xf32, #tpu.memory_space<vmem>>
    %dma_wait3A_309 = tpu.memref_squeeze %dma_wait3A_308 : memref<1x1600x32xf32, #tpu.memory_space<vmem>> -> memref<1600x32xf32, #tpu.memory_space<vmem>>
    tpu.wait_dma2 semaphore(%arg12 : memref<!tpu.dma_semaphore, #tpu.memory_space<semaphore_mem>>) src(%dma_wait3A_309 : memref<1600x32xf32, #tpu.memory_space<vmem>>) dst(%dma_wait3A_305 : memref<1600x32xf32, #tpu.memory_space<hbm>>)
    return
  }
}

</mosaic_0001>

<sc_bundles>
// kernel: _embed.3.cloned.1.call-start
scs
__scs_entry_jumppad:
0x0: {  	(pc) =	sbr.rel $0x88, $3  }
0x1: {  	(tag) =	ssettag $0x0;
	lr =	simm.s32 $0x1  }
0x2: {  	[smem:$0x3F9F] =	sst lr;
	_ =	strace $0xD0000000  }
0x3: {  	_ = 	snop  }
0x4: {  	_ = 	snop  }
0x5: {  	_ = 	snop  }
0x6: {  	_ = 	snop  }
0x7: {  	_ = 	snop  }
__scs_overlays_trampoline_lowered:
0x8: {  	[smem:$0x3FAE] =	sst s0  }
0x9: {  	[smem:$0x3FAF] =	sst s1  }
0xa: {  	[smem:$0x3FB0] =	sst s2  }
0xb: {  	[smem:$0x3FB1] =	sst s3  }
0xc: {  	[smem:$0x3FB2] =	sst s4  }
0xd: {  	[smem:$0x3FB3] =	sst s5  }
0xe: {  	[smem:$0x3FB4] =	sst s6  }
0xf: {  	[smem:$0x3FB5] =	sst s7  }
0x10: {  	[smem:$0x3FB6] =	sst s8  }
0x11: {  	[smem:$0x3FB7] =	sst s9;
	s0 =	simm.s32 @!p0 $0x0  }
0x12: {  	s1 =	sld [smem:$0x3F9D];
	s0 =	simm.s32 @p0 $0x1  }
0x13: {  	[smem:$0x3FB8] =	sst s0;
	s0 =	simm.s32 @!p1 $0x0  }
0x14: {  	s2 =	sld [smem:$0x3F9C];
	s0 =	simm.s32 @p1 $0x1  }
0x15: {  	[smem:$0x3FB9] =	sst s0;
	s0 =	simm.s32 @!p2 $0x0  }
0x16: {  	s3 =	sld [smem:$0x3FDB];
	s0 =	simm.s32 @p2 $0x1  }
0x17: {  	s4 =	simm.s32 $0x1BF5;
	[smem:$0x3FBB] =	sst s0  }
0x18: {  	s0 =	sld [smem:$0x3F9E];
	_ =	swait.ge [sflag:s4], $0x0  }
0x19: {  	s7 =	sld [smem:$0x3F9F]  }
0x1a: {  	s8 =	sadd.s32 $0xFFFFE003, lr  }
0x1b: {  	s9 =	sadd.s32 $0xFFFFFEF7, lr;
	s5 =	simm.s32 $0xFFFFFFFF;
	p2 =	slt.u32 s8, $0xFFFFF086  }
0x1c: {  	p1 =	slt.u32 s9, $0xF7A;
	s5 =	simm.s32 @!p2 $0x0  }
0x1d: {  	s5 =	simm.s32 @p1 $0x1;
	p0 =	seq.s32 s7, s2  }
0x1e: {  	s7 =	smul.u32 @!p0 $0xF7A, s2;
	p2 =	seq.s32 @!p0 s5, $0x0  }
0x1f: {  	s9 =	smul.u32 $0xF7A, s1;
	s8 =	simm.s32 @!p0 $0x1BF5;
	p2 =	por !p2, p0  }
0x20: {  	[sflag:s8] =	ssyncset.s32 @!p0 $0xFFFFF086;
	s6 =	sadd.s32 @!p0 s3, s7;
	s7 =	simm.s32 @!p0 $0x108  }
0x21: {  	s3 =	sadd.s32 s3, s9;
	s6 =	sadd.s32 @!p0 $0x88, s6;
	s7 =	simm.s32 @p2 $0x1082  }
0x22: {  	[simem:s7], [sflag:s8] =	dma.local @!p0 [hbm:s6], $0xF7A  }
0x23: {  	s9 =	sor.u32 $0xD0000000, s2;
	s6 =	simm.s32 $0x108;
	_ =	swait.ge @!p0 [sflag:s8], $0x0  }
0x24: {  	s3 =	sadd.s32 $0x88, s3;
	s6 =	simm.s32 @!p1 $0x1082;
	[sflag:s4] =	ssyncset.s32 $0xFFFFF086  }
0x25: {  	[simem:s6], [sflag:s4] =	dma.local [hbm:s3], $0xF7A  }
0x26: {  	[smem:$0x3F9F] =	sst s1;
	(tag) =	ssettag s2;
	_ =	strace s9  }
0x27: {  	s1 =	sld [smem:$0x3FAF]  }
0x28: {  	s2 =	sld [smem:$0x3FB0]  }
0x29: {  	s4 =	sld [smem:$0x3FB2]  }
0x2a: {  	p0 =	seq.s32 s5, $0x0;
	s5 =	sld [smem:$0x3FB3]  }
0x2b: {  	s6 =	sld [smem:$0x3FB4]  }
0x2c: {  	s7 =	sld [smem:$0x3FB5]  }
0x2d: {  	s3 =	simm.s32 $0x108;
	s8 =	sld [smem:$0x3FB6]  }
0x2e: {  	s3 =	simm.s32 @!p0 $0x1082;
	s9 =	sld [smem:$0x3FB7]  }
0x2f: {  	lr =	sadd.s32 s0, s3;
	s0 =	sld [smem:$0x3FAE]  }
0x30: {  	s3 =	sld [smem:$0x3FB1]  }
0x31: {  	[smem:$0x3FBA] =	sst s10  }
0x32: {  	s10 =	sld [smem:$0x3FB8];
	_ =	sdelay $0x3  }
0x33: {  	p0 =	seq.s32 s10, $0x1;
	s10 =	sld [smem:$0x3FBA];
	_ =	sdelay $0x3  }
0x34: {  	[smem:$0x3FBA] =	sst s10  }
0x35: {  	s10 =	sld [smem:$0x3FB9];
	_ =	sdelay $0x3  }
0x36: {  	p1 =	seq.s32 s10, $0x1;
	s10 =	sld [smem:$0x3FBA];
	_ =	sdelay $0x3  }
0x37: {  	[smem:$0x3FBA] =	sst s10  }
0x38: {  	s10 =	sld [smem:$0x3FBB]  }
0x39: {  	_ = 	snop;
	(pc) =	sbr.ind lr, $3  }
0x3a: {  	_ = 	snop  }
0x3b: {  	_ = 	snop  }
0x3c: {  	p2 =	seq.s32 s10, $0x1;
	s10 =	sld [smem:$0x3FBA]  }
0x3d: {  	_ =	shalt  }
0x3e: {  	_ =	shalt  }
0x3f: {  	_ =	shalt  }
0x40: {  	_ =	shalt  }
0x41: {  	_ =	shalt  }
0x42: {  	_ =	shalt  }
0x43: {  	_ =	shalt  }
0x44: {  	_ =	shalt  }
0x45: {  	_ =	shalt  }
0x46: {  	_ =	shalt  }
0x47: {  	_ =	shalt  }
0x48: {  	_ =	shalt  }
0x49: {  	_ =	shalt  }
0x4a: {  	_ =	shalt  }
0x4b: {  	_ =	shalt  }
0x4c: {  	_ =	shalt  }
0x4d: {  	_ =	shalt  }
0x4e: {  	_ =	shalt  }
0x4f: {  	_ =	shalt  }
0x50: {  	_ =	shalt  }
0x51: {  	_ =	shalt  }
0x52: {  	_ =	shalt  }
0x53: {  	_ =	shalt  }
0x54: {  	_ =	shalt  }
0x55: {  	_ =	shalt  }
0x56: {  	_ =	shalt  }
0x57: {  	_ =	shalt  }
0x58: {  	_ =	shalt  }
0x59: {  	_ =	shalt  }
0x5a: {  	_ =	shalt  }
0x5b: {  	_ =	shalt  }
0x5c: {  	_ =	shalt  }
0x5d: {  	_ =	shalt  }
0x5e: {  	_ =	shalt  }
0x5f: {  	_ =	shalt  }
0x60: {  	_ =	shalt  }
0x61: {  	_ =	shalt  }
0x62: {  	_ =	shalt  }
0x63: {  	_ =	shalt  }
0x64: {  	_ =	shalt  }
0x65: {  	_ =	shalt  }
0x66: {  	_ =	shalt  }
0x67: {  	_ =	shalt  }
0x68: {  	_ =	shalt  }
0x69: {  	_ =	shalt  }
0x6a: {  	_ =	shalt  }
0x6b: {  	_ =	shalt  }
0x6c: {  	_ =	shalt  }
0x6d: {  	_ =	shalt  }
0x6e: {  	_ =	shalt  }
0x6f: {  	_ =	shalt  }
0x70: {  	_ =	shalt  }
0x71: {  	_ =	shalt  }
0x72: {  	_ =	shalt  }
0x73: {  	_ =	shalt  }
0x74: {  	_ =	shalt  }
0x75: {  	_ =	shalt  }
0x76: {  	_ =	shalt  }
0x77: {  	_ =	shalt  }
0x78: {  	_ =	shalt  }
0x79: {  	_ =	shalt  }
0x7a: {  	_ =	shalt  }
0x7b: {  	_ =	shalt  }
0x7c: {  	_ =	shalt  }
0x7d: {  	_ =	shalt  }
0x7e: {  	_ =	shalt  }
0x7f: {  	_ =	shalt  }
0x80: {  	_ =	shalt  }
0x81: {  	_ =	shalt  }
0x82: {  	_ =	shalt  }
0x83: {  	_ =	shalt  }
0x84: {  	_ =	shalt  }
0x85: {  	_ =	shalt  }
0x86: {  	_ =	shalt  }
0x87: {  	_ =	shalt  }
.Lfunc_end0:
.L_simem_size_0:
called_computation.1_lowered:
.L_overlay_start_0:
0x88: {  	s2 =	sld [smem:$0x3FD9]  }
0x89: {  	s3 =	sld [smem:$0x3FFE];
	_ =	sdelay $0x1  }
0x8a: {  	s1 =	srdreg.scid  }
0x8b: {  	s0 =	sand.u32 $0x1, s1  }
0x8c: {  	s17 =	sshll.u32 s0, $0xA;
	s2 =	sadd.s32 s3, s2  }
0x8d: {  	s2 =	sadd.s32 s2, s17  }
0x8e: {  	[smem:$0x3FC6] =	sst s2  }
0x8f: {  	_ = 	snop  }
0x90: {  	s2 =	sld [smem:$0x3FC9]  }
0x91: {  	s18 =	sld [smem:$0x3FD0];
	(tm) =	ssettm $0x1  }
0x92: {  	s4 =	sld [smem:$0x3FFB];
	_ =	sdelay $0x3  }
0x93: {  	_ =	strace s4  }
0x94: {  	s4 =	sld [smem:$0x3FFC];
	_ =	sdelay $0x3  }
0x95: {  	_ =	strace s4  }
0x96: {  	s4 =	sld [smem:$0x3FFD];
	_ =	sdelay $0x3  }
0x97: {  	_ =	strace s4  }
0x98: {  	_ =	strace $0x8FFFFFFF  }
0x99: {  	s19 =	sld [smem:$0x3FDB];
	_ =	sdelay $0x1  }
0x9a: {  	s5 =	simm.s32 $_scs_section_size  }
0x9b: {  	s6 =	simm.s32 $_size__tile_overlayer_lowered;
	s7 =	simm.s32 $_tile_overlayer_lowered  }
0x9c: {  	s22 =	simm.s32 $0x1BFF;
	s21 =	sshll.u32 s7, $0x1;
	s4 =	sadd.s32 s5, s19  }
0x9d: {  	s8 =	simm.s32 $0x0;
	s20 =	sshll.u32 s6, $0x1;
	s6 =	sadd.s32 s21, s4  }
0x9e: {  	[timem:s8], [sflag:s22] =	dma.local [hbm:s6], s20  }
0x9f: {  	_ =	swait.ge [sflag:s22], s20  }
0xa0: {  	s5 =	ssub.s32 $0x0, s20;
	[sflag:s22] =	ssyncset.done $0x0  }
0xa1: {  	[sflag:s22] =	ssyncadd.s32 s5;
	_ =	sdelay $0x1  }
0xa2: {  	s23 =	simm.s32 $0x1B8B  }
0xa3: {  	_ =	swait.ge [sflag:s23], $0x1  }
0xa4: {  	[sflag:s23] =	ssyncset.done $0x0  }
0xa5: {  	s25 =	simm.s32 $0x1B8E;
	s24 =	sld [smem:$0x3FFE];
	[sflag:s23] =	ssyncadd.s32 $0xFFFFFFFF  }
0xa6: {  	s26 =	simm.s32 $execute0_lowered;
	[smem:$0x3FD2] =	sst s25  }
0xa7: {  	s6 =	sshll.u32 s26, $0x1;
	_ =	strace $0x80000046;
	[dreg:$0x1] =	wrdreg $0xFFFFFFFF  }
0xa8: {  	s28 =	simm.s32 $_size_execute0_lowered;
	s4 =	sadd.s32 s4, s6;
	[dreg:$0x0] =	wrdreg $0x0  }
0xa9: {  	s6 =	sshll.u32 s28, $0x1;
	[dreg:$0x2] =	wrdreg s4  }
0xaa: {  	[dreg:$0x3] =	wrdreg s6  }
0xab: {  	[dreg:$0x4] =	wrdreg $0xC0  }
0xac: {  	_ =	task [dreg:s8], $0x5FFFF  }
0xad: {  	[dreg:$0x1] =	wrdreg $0xFFFFFFFF  }
0xae: {  	[dreg:$0x0] =	wrdreg $0x60  }
0xaf: {  	[dreg:$0x2] =	wrdreg s2  }
0xb0: {  	[dreg:$0x3] =	wrdreg s24  }
0xb1: {  	[dreg:$0x4] =	wrdreg s18  }
0xb2: {  	[dreg:$0x5] =	wrdreg $0x9  }
0xb3: {  	_ =	task.clear_ibuf [dreg:s8], $0x6FFFF;
	_ =	strace $0x90000046  }
0xb4: {  	s29 =	simm.s32 $0x9;
	_ =	strace $0x80000048  }
0xb5: {  	_ =	swait.ge [sflag:s29], $0x1  }
0xb6: {  	[sflag:s29] =	ssyncadd.s32 $0xFFFFFFFF  }
0xb7: {  	_ =	strace $0x90000048  }
0xb8: {  	_ =	sfence  }
0xb9: {  	s30 =	sld [smem:$0x0];
	_ =	sdelay $0x2  }
0xba: {  	s31 =	sshll.u32 s1, $0xD;
	s1 =	sshrl.u32 s1, $0x2  }
0xbb: {  	s3 =	sand.u32 $0x4000, s31;
	s1 =	sadd.s32 s1, s30  }
0xbc: {  	s0 =	sor.u32 s3, s0;
	s1 =	sshll.u32 s1, $0x11  }
0xbd: {  	s0 =	sor.u32 s1, s0  }
0xbe: {  	s0 =	sadd.s32 $0x8F2B, s0  }
0xbf: {  	[sflag:s0] =	ssyncadd.remote.s32 $0x1  }
0xc0: {  	_ =	sfence.sel $0xFFFF  }
0xc1: {  	[dreg:$0x0] =	wrdreg $0xFFFFFFFF;
	(pc) =	sbr.abs _section_cstart, $3  }
0xc2: {  	[dreg:$0x1] =	wrdreg $0xFFFFFFFF  }
0xc3: {  	_ =	task.clear_ibuf [dreg:s8], $0x2FFFF;
	_ =	strace $0x9FFFFFFF  }
0xc4: {  	(tm) =	ssettm $0x7FFFFFFF  }
0xc5: {  	_ =	shalt  }
tec
execute0_lowered:
.L_overlay_start_1:
0x0: {  	(tag) =	ssettag $0x1  }
0x1: {  	s14 =	rddreg [dreg:$0x0]  }
0x2: {  	s3 =	rddreg [dreg:$0x1];
	s1 =	srdreg.scid  }
0x3: {  	s0 =	stileid.u32;
	s15 =	rddreg [dreg:$0x2]  }
0x4: {  	s2 =	simm.s32 $0x0;
	s19 =	simm.s32 $0xC80;
	s20 =	simm.s32 $0x2  }
0x5: {  	s21 =	simm.s32 $0xD480;
	s22 =	simm.s32 $0x3;
	s23 =	simm.s32 $0x4  }
0x6: {  	s8 =	sand.u32 $0x1, s1;
	s4 =	sshll.u32 s0, $0x1;
	s13 =	smul.u32 $0x32000, s0  }
0x7: {  	s24 =	simm.s32 $0x5;
	s6 =	sor.u32 s8, s4;
	s16 =	smul.u32 $0x19000, s8  }
0x8: {  	s25 =	simm.s32 $0x6;
	[smem:$0x7FF] =	sst s2;
	s5 =	smul.u32 $0x19000, s6  }
0x9: {  	s3 =	sadd.s32 $0xF42C00, s3;
	s26 =	ssub.s32 $0x2, s8;
	s30 =	smul.u32 $0x64000, s6  }
0xa: {  	_ =	strace $0x80000047;
	s7 =	sshrl.u32 s26, $0x1;
	s10 =	smul.u32 $0x320000, s6  }
0xb: {  	s12 =	ssub.s32 s26, s7;
	s13 =	sadd.s32 s16, s13;
	s26 =	simm.s32 $0x0  }
0xc: {  	s9 =	sor.u32 $0x640, s5;
	s28 =	sshrl.u32 s5, $0x3;
	s6 =	sadd.s32 s15, s30  }
0xd: {  	s10 =	sshrl.u32 s10, $0x3;
	s12 =	smax.u32 s12, $0x1;
	s16 =	sadd.s32 $0x1F40, s13  }
0xe: {  	s17 =	sadd.s32 $0x1900, s13;
	s18 =	sshll.u32 s13, $0x2;
	s29 =	sshrl.u32 s9, $0x3  }
0xf: {  	s4 =	sadd.s32 s14, s28;
	s9 =	sshll.u32 s9, $0x2;
	s11 =	sadd.s32 s15, s10  }
0x10: {  	s16 =	sshrl.u32 s16, $0x3;
	s17 =	sshrl.u32 s17, $0x3;
	s31 =	sadd.s32 s18, s15  }
0x11: {  	s18 =	simm.s32 $0x1;
	s5 =	sadd.s32 s14, s29;
	s7 =	sadd.s32 $0x190, s4  }
0x12: {  	s8 =	sadd.s32 s15, s9;
	s9 =	sadd.s32 $0x258, s4;
	s10 =	sadd.s32 $0x60E00, s11  }
0x13: {  	s11 =	sadd.s32 $0x62700, s11;
	s13 =	sadd.s32 s16, s14;
	s14 =	sadd.s32 s17, s14  }
0x14: {  	s15 =	sadd.s32 $0x4B00, s31;
	s16 =	sadd.s32 $0x3200, s31;
	s17 =	simm.s32 $0x640  }
.LBB2_1:
0x15: {  	[tilespmem:s2], [sflag:$0x1] =	stream.linear.gather [hbm4b:s4+s2], $0x640, $0x38;
	[tilespmem:$0x19C80] =	vst v63  }
0x16: {  	_ = 	snop  }
0x17: {  	[tilespmem:s17], [sflag:$0x2] =	stream.linear.gather [hbm4b:s5+s2], $0x640, $0x38;
	[tilespmem:$0x19C80] =	vst v63  }
0x18: {  	_ =	swait.ge [sflag:s18], $0x640  }
0x19: {  	[sflag:s18] =	ssyncset.done $0x0  }
0x1a: {  	[sflag:s18] =	ssyncadd.s32 $0xFFFFF9C0  }
0x1b: {  	[tilespmem:s19], [sflag:$0x3] =	stream.indirect.gather [hbm4b:s3+s17], $0x20, s2, s17, $0xb8;
	[tilespmem:$0x19C80] =	vst v63  }
0x1c: {  	_ =	swait.ge [sflag:s20], $0x640  }
0x1d: {  	[sflag:s20] =	ssyncset.done $0x0  }
0x1e: {  	[sflag:s20] =	ssyncadd.s32 $0xFFFFF9C0  }
0x1f: {  	[tilespmem:s21], [sflag:$0x4] =	stream.indirect.gather [hbm4b:s3+s17], $0x20, s17, s17, $0xb8;
	[tilespmem:$0x19C80] =	vst v63  }
0x20: {  	_ =	swait.ge [sflag:s22], $0xC800  }
0x21: {  	[sflag:s22] =	ssyncset.done $0x0  }
0x22: {  	[sflag:s22] =	ssyncadd.s32 $0xFFFF3800  }
0x23: {  	[hbm4b:s6+s2] =	stream.linear.scatter [tilespmem:s19], [sflag:$0x5], $0xC800, $0x38;
	[tilespmem:$0x19C80] =	vst v63  }
0x24: {  	_ = 	snop  }
0x25: {  	[tilespmem:s2], [sflag:$0x1] =	stream.linear.gather [hbm4b:s7+s2], $0x640, $0x38;
	[tilespmem:$0x19C80] =	vst v63  }
0x26: {  	_ =	swait.ge [sflag:s23], $0xC800  }
0x27: {  	[sflag:s23] =	ssyncset.done $0x0  }
0x28: {  	[sflag:s23] =	ssyncadd.s32 $0xFFFF3800  }
0x29: {  	[hbm4b:s8+s2] =	stream.linear.scatter [tilespmem:s21], [sflag:$0x6], $0xC800, $0x38;
	[tilespmem:$0x19C80] =	vst v63  }
0x2a: {  	_ = 	snop  }
0x2b: {  	[tilespmem:s17], [sflag:$0x2] =	stream.linear.gather [hbm4b:s9+s2], $0x640, $0x38;
	[tilespmem:$0x19C80] =	vst v63  }
0x2c: {  	_ =	swait.ge [sflag:s18], $0x640  }
0x2d: {  	[sflag:s18] =	ssyncset.done $0x0  }
0x2e: {  	[sflag:s18] =	ssyncadd.s32 $0xFFFFF9C0  }
0x2f: {  	_ =	swait.ge [sflag:s24], $0xC800  }
0x30: {  	[sflag:s24] =	ssyncset.done $0x0  }
0x31: {  	[sflag:s24] =	ssyncadd.s32 $0xFFFF3800  }
0x32: {  	[tilespmem:s19], [sflag:$0x3] =	stream.indirect.gather [hbm4b:s3+s17], $0x20, s2, s17, $0xb8;
	[tilespmem:$0x19C80] =	vst v63  }
0x33: {  	_ =	swait.ge [sflag:s20], $0x640  }
0x34: {  	[sflag:s20] =	ssyncset.done $0x0  }
0x35: {  	[sflag:s20] =	ssyncadd.s32 $0xFFFFF9C0  }
0x36: {  	_ =	swait.ge [sflag:s25], $0xC800  }
0x37: {  	[sflag:s25] =	ssyncset.done $0x0  }
0x38: {  	[sflag:s25] =	ssyncadd.s32 $0xFFFF3800  }
0x39: {  	[tilespmem:s21], [sflag:$0x4] =	stream.indirect.gather [hbm4b:s3+s17], $0x20, s17, s17, $0xb8;
	[tilespmem:$0x19C80] =	vst v63  }
0x3a: {  	_ =	swait.ge [sflag:s22], $0xC800  }
0x3b: {  	[sflag:s22] =	ssyncset.done $0x0  }
0x3c: {  	[sflag:s22] =	ssyncadd.s32 $0xFFFF3800  }
0x3d: {  	[hbm4b:s16+s2] =	stream.linear.scatter [tilespmem:s19], [sflag:$0x5], $0xC800, $0x38;
	[tilespmem:$0x19C80] =	vst v63  }
0x3e: {  	s28 =	sadd.s32 $0x0, s14  }
0x3f: {  	[tilespmem:s2], [sflag:$0x1] =	stream.linear.gather [hbm4b:s28+s2], $0x640, $0x38;
	[tilespmem:$0x19C80] =	vst v63  }
0x40: {  	_ =	swait.ge [sflag:s23], $0xC800  }
0x41: {  	s31 =	sadd.s32 $0x0, s13;
	s29 =	sadd.s32 $0x3200, s15;
	[sflag:s23] =	ssyncset.done $0x0  }
0x42: {  	s30 =	sadd.s32 $0x3200, s16;
	s28 =	simm.s32 $0x190;
	[sflag:s23] =	ssyncadd.s32 $0xFFFF3800  }
0x43: {  	[hbm4b:s15+s2] =	stream.linear.scatter [tilespmem:s21], [sflag:$0x6], $0xC800, $0x38;
	[tilespmem:$0x19C80] =	vst v63  }
.LBB2_2:
0x44: {  	[tilespmem:s17], [sflag:$0x2] =	stream.linear.gather [hbm4b:s31+s2], $0x640, $0x38;
	[tilespmem:$0x19C80] =	vst v63  }
0x45: {  	s31 =	smov.u32 s28  }
0x46: {  	p0 =	sne.s32 s28, $0x2D50;
	s28 =	sadd.s32 $0x190, s28;
	_ =	swait.ge [sflag:s18], $0x640  }
0x47: {  	[sflag:s18] =	ssyncset.done $0x0  }
0x48: {  	[sflag:s18] =	ssyncadd.s32 $0xFFFFF9C0  }
0x49: {  	_ =	swait.ge [sflag:s24], $0xC800  }
0x4a: {  	[sflag:s24] =	ssyncset.done $0x0  }
0x4b: {  	[sflag:s24] =	ssyncadd.s32 $0xFFFF3800  }
0x4c: {  	[tilespmem:s19], [sflag:$0x3] =	stream.indirect.gather [hbm4b:s3+s17], $0x20, s2, s17, $0xb8;
	[tilespmem:$0x19C80] =	vst v63  }
0x4d: {  	_ =	swait.ge [sflag:s20], $0x640  }
0x4e: {  	[sflag:s20] =	ssyncset.done $0x0  }
0x4f: {  	[sflag:s20] =	ssyncadd.s32 $0xFFFFF9C0  }
0x50: {  	_ =	swait.ge [sflag:s25], $0xC800  }
0x51: {  	[sflag:s25] =	ssyncset.done $0x0  }
0x52: {  	[sflag:s25] =	ssyncadd.s32 $0xFFFF3800  }
0x53: {  	[tilespmem:s21], [sflag:$0x4] =	stream.indirect.gather [hbm4b:s3+s17], $0x20, s17, s17, $0xb8;
	[tilespmem:$0x19C80] =	vst v63  }
0x54: {  	_ =	swait.ge [sflag:s22], $0xC800  }
0x55: {  	[sflag:s22] =	ssyncset.done $0x0  }
0x56: {  	[sflag:s22] =	ssyncadd.s32 $0xFFFF3800  }
0x57: {  	[hbm4b:s30+s2] =	stream.linear.scatter [tilespmem:s19], [sflag:$0x5], $0xC800, $0x38;
	[tilespmem:$0x19C80] =	vst v63  }
0x58: {  	s1 =	sadd.s32 s31, s14  }
0x59: {  	[tilespmem:s2], [sflag:$0x1] =	stream.linear.gather [hbm4b:s1+s2], $0x640, $0x38;
	[tilespmem:$0x19C80] =	vst v63  }
.Ltmp0:
0x5a: {  	_ =	swait.ge [sflag:s23], $0xC800;
	(pc) =	sbr.rel @p0 .LBB2_2-.Ltmp0, $4  }
0x5b: {  	[sflag:s23] =	ssyncset.done $0x0  }
0x5c: {  	[sflag:s23] =	ssyncadd.s32 $0xFFFF3800  }
0x5d: {  	[hbm4b:s29+s2] =	stream.linear.scatter [tilespmem:s21], [sflag:$0x6], $0xC800, $0x38;
	[tilespmem:$0x19C80] =	vst v63  }
0x5e: {  	s31 =	sadd.s32 s31, s13;
	s30 =	sadd.s32 $0x3200, s30;
	s29 =	sadd.s32 $0x3200, s29  }
0x5f: {  	[tilespmem:s17], [sflag:$0x2] =	stream.linear.gather [hbm4b:s31+s2], $0x640, $0x38;
	[tilespmem:$0x19C80] =	vst v63  }
0x60: {  	_ =	swait.ge [sflag:s18], $0x640  }
0x61: {  	[sflag:s18] =	ssyncset.done $0x0  }
0x62: {  	[sflag:s18] =	ssyncadd.s32 $0xFFFFF9C0  }
0x63: {  	_ =	swait.ge [sflag:s24], $0xC800  }
0x64: {  	[sflag:s24] =	ssyncset.done $0x0  }
0x65: {  	[sflag:s24] =	ssyncadd.s32 $0xFFFF3800  }
0x66: {  	[tilespmem:s19], [sflag:$0x3] =	stream.indirect.gather [hbm4b:s3+s17], $0x20, s2, s17, $0xb8;
	[tilespmem:$0x19C80] =	vst v63  }
0x67: {  	_ =	swait.ge [sflag:s20], $0x640  }
0x68: {  	[sflag:s20] =	ssyncset.done $0x0  }
0x69: {  	[sflag:s20] =	ssyncadd.s32 $0xFFFFF9C0  }
0x6a: {  	_ =	swait.ge [sflag:s25], $0xC800  }
0x6b: {  	[sflag:s25] =	ssyncset.done $0x0  }
0x6c: {  	[sflag:s25] =	ssyncadd.s32 $0xFFFF3800  }
0x6d: {  	[tilespmem:s21], [sflag:$0x4] =	stream.indirect.gather [hbm4b:s3+s17], $0x20, s17, s17, $0xb8;
	[tilespmem:$0x19C80] =	vst v63  }
0x6e: {  	_ =	swait.ge [sflag:s22], $0xC800  }
0x6f: {  	[sflag:s22] =	ssyncset.done $0x0  }
0x70: {  	[sflag:s22] =	ssyncadd.s32 $0xFFFF3800  }
0x71: {  	[hbm4b:s10+s2] =	stream.linear.scatter [tilespmem:s19], [sflag:$0x5], $0xC800, $0x38;
	[tilespmem:$0x19C80] =	vst v63  }
0x72: {  	_ =	swait.ge [sflag:s23], $0xC800  }
0x73: {  	[sflag:s23] =	ssyncset.done $0x0  }
0x74: {  	s26 =	sadd.s32 $0x1, s26;
	[sflag:s23] =	ssyncadd.s32 $0xFFFF3800  }
0x75: {  	[hbm4b:s11+s2] =	stream.linear.scatter [tilespmem:s21], [sflag:$0x6], $0xC800, $0x38;
	[tilespmem:$0x19C80] =	vst v63  }
0x76: {  	p0 =	sne.s32 s26, s12;
	_ =	swait.ge [sflag:s24], $0xC800  }
.Ltmp1:
0x77: {  	[sflag:s24] =	ssyncset.done $0x0;
	(pc) =	sbr.rel @p0 .LBB2_1-.Ltmp1, $4  }
0x78: {  	[sflag:s24] =	ssyncadd.s32 $0xFFFF3800  }
0x79: {  	_ =	swait.ge [sflag:s25], $0xC800  }
0x7a: {  	[sflag:s25] =	ssyncset.done $0x0  }
0x7b: {  	[sflag:s25] =	ssyncadd.s32 $0xFFFF3800  }
0x7c: {  	_ =	sfence.sel $0x180000  }
0x7d: {  	[bflag:$0x0] =	sbarrier.arrive $0xFFFF  }
0x7e: {  	_ =	strace $0x90000047  }
0x7f: {  	[bflag:$0x2] =	sbarrier.arrive $0xFFFF  }
0x80: {  	p0 =	sne.s32 s0, $0x0;
	s0 =	rddreg [dreg:$0x3]  }
0x81: {  	s0 =	sadd.s32 @!p0 $0x100000, s0  }
0x82: {  	[sflag:s0] =	ssyncadd.tile.s32 @!p0 $0x1;
	_ =	shalt  }
.Lfunc_end2:
_tile_overlayer_lowered:
.L_overlay_start_2:
0x83: {  	(tag) =	ssettag $0x2  }
0x84: {  	s0 =	rddreg [dreg:$0x0];
	s2 =	stileid.u32  }
0x85: {  	s1 =	rddreg [dreg:$0x1];
	p0 =	sne.s32 s2, $0x0  }
0x86: {  	s3 =	rddreg [dreg:$0x2];
	[bflag:$0x3] =	sbarrier.arrive $0xFFFF;
	s2 =	simm.s32 @!p0 $0x1C07  }
0x87: {  	[timem:s3], [sflag:s2] =	dma.local @!p0 [hbm:s0], s1  }
0x88: {  	s0 =	simm.s32 @!p0 $0x7  }
0x89: {  	_ =	swait.ge @!p0 [sflag:s0], s1  }
0x8a: {  	s1 =	ssub.s32 @!p0 $0x0, s1;
	[sflag:s0] =	ssyncset.done @!p0 $0x0  }
0x8b: {  	[sflag:s0] =	ssyncadd.s32 @!p0 s1  }
0x8c: {  	[bflag:$0x3] =	sbarrier.arrive $0xFFFF  }
0x8d: {  	_ =	shalt  }

// kernel: sparse-core-data-format-call.cloned.1.call-start
scs
called_computation_lowered:
.L_overlay_start_0:
0x0: {  	s2 =	sld [smem:$0x3FD9]  }
0x1: {  	s3 =	sld [smem:$0x3FFE];
	_ =	sdelay $0x1  }
0x2: {  	s1 =	srdreg.scid  }
0x3: {  	s0 =	sand.u32 $0x1, s1  }
0x4: {  	s18 =	sshll.u32 s0, $0xA;
	s2 =	sadd.s32 s3, s2  }
0x5: {  	s2 =	sadd.s32 s2, s18  }
0x6: {  	[smem:$0x3FC6] =	sst s2  }
0x7: {  	_ = 	snop  }
0x8: {  	s2 =	sld [smem:$0x3FD0];
	(tm) =	ssettm $0x1  }
0x9: {  	s19 =	sld [smem:$0x3FFB];
	_ =	sdelay $0x3  }
0xa: {  	_ =	strace s19  }
0xb: {  	s3 =	sld [smem:$0x3FFC];
	_ =	sdelay $0x3  }
0xc: {  	_ =	strace s3  }
0xd: {  	s3 =	sld [smem:$0x3FFD];
	_ =	sdelay $0x3  }
0xe: {  	_ =	strace s3  }
0xf: {  	_ =	strace $0x8FFFFFFF  }
0x10: {  	s20 =	sld [smem:$0x3FDB];
	_ =	sdelay $0x1  }
0x11: {  	s4 =	simm.s32 $_scs_section_size  }
0x12: {  	s5 =	simm.s32 $_size__tile_overlayer_lowered;
	s6 =	simm.s32 $_tile_overlayer_lowered  }
0x13: {  	s23 =	simm.s32 $0x1BFF;
	s22 =	sshll.u32 s6, $0x1;
	s3 =	sadd.s32 s4, s20  }
0x14: {  	s7 =	simm.s32 $0x0;
	s21 =	sshll.u32 s5, $0x1;
	s5 =	sadd.s32 s22, s3  }
0x15: {  	[timem:s7], [sflag:s23] =	dma.local [hbm:s5], s21  }
0x16: {  	_ =	swait.ge [sflag:s23], s21  }
0x17: {  	s4 =	ssub.s32 $0x0, s21;
	[sflag:s23] =	ssyncset.done $0x0  }
0x18: {  	[sflag:s23] =	ssyncadd.s32 s4;
	_ =	sdelay $0x1  }
0x19: {  	s24 =	simm.s32 $0x1B8B  }
0x1a: {  	_ =	swait.ge [sflag:s24], $0x1  }
0x1b: {  	[sflag:s24] =	ssyncset.done $0x0  }
0x1c: {  	s26 =	simm.s32 $0x1B8E;
	s25 =	sld [smem:$0x3FFE];
	[sflag:s24] =	ssyncadd.s32 $0xFFFFFFFF  }
0x1d: {  	s27 =	simm.s32 $execute0_lowered;
	[smem:$0x3FD2] =	sst s26  }
0x1e: {  	s5 =	sshll.u32 s27, $0x1;
	_ =	strace $0x80000049;
	[dreg:$0x1] =	wrdreg $0xFFFFFFFF  }
0x1f: {  	s28 =	simm.s32 $_size_execute0_lowered;
	s3 =	sadd.s32 s3, s5;
	[dreg:$0x0] =	wrdreg $0x0  }
0x20: {  	s5 =	sshll.u32 s28, $0x1;
	[dreg:$0x2] =	wrdreg s3  }
0x21: {  	[dreg:$0x3] =	wrdreg s5  }
0x22: {  	[dreg:$0x4] =	wrdreg $0xC0  }
0x23: {  	_ =	task [dreg:s7], $0x5FFFF  }
0x24: {  	[dreg:$0x1] =	wrdreg $0xFFFFFFFF  }
0x25: {  	[dreg:$0x0] =	wrdreg $0x60  }
0x26: {  	[dreg:$0x2] =	wrdreg s25  }
0x27: {  	[dreg:$0x3] =	wrdreg s2  }
0x28: {  	[dreg:$0x4] =	wrdreg $0x9  }
0x29: {  	_ =	task.clear_ibuf [dreg:s7], $0x5FFFF;
	_ =	strace $0x90000049  }
0x2a: {  	s29 =	simm.s32 $0x9;
	_ =	strace $0x8000004B  }
0x2b: {  	_ =	swait.ge [sflag:s29], $0x1  }
0x2c: {  	[sflag:s29] =	ssyncadd.s32 $0xFFFFFFFF  }
0x2d: {  	_ =	strace $0x9000004B  }
0x2e: {  	_ =	sfence  }
0x2f: {  	s30 =	sld [smem:$0x0];
	_ =	sdelay $0x2  }
0x30: {  	s31 =	sshll.u32 s1, $0xD;
	s1 =	sshrl.u32 s1, $0x2  }
0x31: {  	s3 =	sand.u32 $0x4000, s31;
	s1 =	sadd.s32 s1, s30  }
0x32: {  	s0 =	sor.u32 s3, s0;
	s1 =	sshll.u32 s1, $0x11  }
0x33: {  	s0 =	sor.u32 s1, s0  }
0x34: {  	s0 =	sadd.s32 $0x8F2B, s0  }
0x35: {  	[sflag:s0] =	ssyncadd.remote.s32 $0x1  }
0x36: {  	_ =	sfence.sel $0xFFFF  }
0x37: {  	[dreg:$0x0] =	wrdreg $0xFFFFFFFF;
	(pc) =	sbr.abs _section_cstart, $3  }
0x38: {  	[dreg:$0x1] =	wrdreg $0xFFFFFFFF  }
0x39: {  	_ =	task.clear_ibuf [dreg:s7], $0x2FFFF;
	_ =	strace $0x9FFFFFFF  }
0x3a: {  	(tm) =	ssettm $0x7FFFFFFF  }
0x3b: {  	_ =	shalt  }
tec
execute0_lowered:
.L_overlay_start_1:
0x0: {  	(tag) =	ssettag $0x1  }
0x1: {  	s0 =	srdreg.scid  }
0x2: {  	s1 =	sshll.u32 s0, $0x4  }
0x3: {  	s4 =	rddreg [dreg:$0x0];
	s0 =	stileid.u32;
	s1 =	sand.u32 $0x10, s1  }
0x4: {  	s2 =	rddreg [dreg:$0x1];
	s7 =	simm.s32 $0x1;
	s1 =	sor.u32 s0, s1  }
0x5: {  	s8 =	simm.s32 $0x2;
	s11 =	simm.s32 $0x0;
	s3 =	sshll.u32 s1, $0x7  }
0x6: {  	s10 =	simm.s32 $0x0;
	s4 =	sadd.s32 $0x800, s4;
	s6 =	ssub.s32 $0x320000, s3  }
.Ltmp0:
0x7: {  	s1 =	rddreg [dreg:$0x2];
	s5 =	sand.u32 $0xF80, s6;
	(pc) =	sbr.rel .LBB1_1-.Ltmp0, $4  }
0x8: {  	_ =	strace $0x8000004A;
	s9 =	smov.u32 s3;
	p0 =	sne.s32 s5, $0x0  }
0x9: {  	s6 =	sshrl.u32 s6, $0xC;
	s5 =	simm.s32 $0x1;
	s7 =	simm.s32 @!p0 $0x0  }
0xa: {  	[sflag:s5] =	ssyncpa.u1 $0x0;
	p0 =	por $0x0, $0x0;
	s6 =	sadd.s32 s7, s6  }
0xb: {  	[sflag:s8] =	ssyncpa.u1 $0x0;
	s8 =	simm.s32 $0x1900000;
	s7 =	sadd.s32 $0x1, s6  }
.LBB1_4:
0xc: {  	s14 =	sshll.u32 s11, $0x3  }
0xd: {  	s30 =	sand.u32 $0x7F, s11;
	s15 =	sand.u32 $0xFFFFFC00, s14  }
0xe: {  	s11 =	sor.u32 s30, s15  }
0xf: {  	s15 =	smulhi.u32 $0x51EB851F, s11  }
0x10: {  	s14 =	smulhi.u32 $0x51EB851F, s14  }
0x11: {  	s15 =	sshrl.u32 s15, $0x14  }
0x12: {  	s14 =	sshrl.u32 s14, $0x14;
	s15 =	smul.u32 $0x320000, s15  }
0x13: {  	s14 =	sand.u32 $0x1F, s14  }
0x14: {  	s14 =	smul.u32 $0x64000, s14;
	s11 =	ssub.s32 s11, s15  }
0x15: {  	s15 =	sand.u32 $0x7, s11  }
0x16: {  	s14 =	sadd.s32 s2, s14;
	s11 =	sshrl.u32 s11, $0x3;
	s15 =	sshll.u32 s15, $0x12  }
0x17: {  	[tilespmem:s13+$0x0 ss:$0x81] =	vst.msk $0xffff, v0;
	s11 =	sadd.s32 s11, s14;
	s31 =	sor.u32 $0x400, s15  }
0x18: {  	[hbm4b:s11+s31] =	stream.strided.scatter [tilespmem:s12], [sflag:$0x2], $0x1000, s8, s31, $0x20;
	[tilespmem:$0x4040] =	vst v63  }
.LBB1_5:
0x19: {  	s13 =	sadd.s32 $0x1000, s9  }
0x1a: {  	p2 =	sgt.s32 s13, $0x31FFFF  }
0x1b: {  	s13 =	smov.u32 @p2 s3;
	p2 =	sne.s32 s10, s7  }
.Ltmp1:
0x1c: {  	p1 =	slt.u32 s10, $0x2;
	(pc) =	sbr.rel @!p2 .LBB1_6-.Ltmp1, $4  }
0x1d: {  	s12 =	simm.s32 @!p1 $0x2  }
0x1e: {  	s14 =	sadd.s32 $0x1, s10;
	_ =	swait.ge @!p1 [sflag:s12], $0x1000  }
0x1f: {  	s11 =	smov.u32 s9;
	p0 =	por !p0, !p0;
	[sflag:s12] =	ssyncset.done @!p1 $0x0  }
0x20: {  	s10 =	smov.u32 s14;
	s9 =	smov.u32 s13;
	[sflag:s12] =	ssyncadd.s32 @!p1 $0xFFFFF000  }
.LBB1_1:
0x21: {  	p1 =	sge.u32 s10, s6  }
0x22: {  	s12 =	sand.u32 @!p1 $0x1FFFFFF, s9  }
0x23: {  	s13 =	smulhi.u32 @!p1 $0x147AE15, s12;
	_ =	sdelay $0x1  }
0x24: {  	s13 =	sshrl.u32 @!p1 s13, $0xE  }
0x25: {  	s13 =	smul.u32 @!p1 $0x320000, s13;
	_ =	sdelay $0x1  }
0x26: {  	s31 =	sadd.s32 $0xFFFFFFFF, s10;
	s14 =	sxor.u32 @!p1 $0xFFFFFFFF, s10;
	s12 =	ssub.s32 @!p1 s12, s13  }
0x27: {  	s15 =	simm.s32 @!p1 $0x80;
	s14 =	sshll.u32 @!p1 s14, $0xC;
	s12 =	sshll.u32 @!p1 s12, $0x4  }
0x28: {  	s13 =	sand.u32 @!p1 $0x1000, s14;
	s14 =	simm.s32 @!p1 $0x20;
	s12 =	sadd.s32 @!p1 s4, s12  }
0x29: {  	[tilespmem:s13], [sflag:$0x1] =	stream.strided.gather @!p1 [hbm4b:s12+s14], $0x1000, s15, s14, $0x38;
	[tilespmem:$0x4040] =	vst v63  }
0x2a: {  	p1 =	sge.u32 s31, s6  }
.Ltmp2:
0x2b: {  	_ = 	snop;
	(pc) =	sbr.rel @p1 .LBB1_5-.Ltmp2, $1  }
0x2c: {  	_ =	sdelay $0x3  }
0x2d: {  	s12 =	simm.s32 $0x1  }
0x2e: {  	_ =	swait.ge [sflag:s5], $0x1000;
	s12 =	simm.s32 @!p0 $0x0  }
0x2f: {  	[sflag:s5] =	ssyncset.done $0x0;
	s13 =	sshll.u32 s12, $0xC  }
0x30: {  	[sflag:s5] =	ssyncadd.s32 $0xFFFFF000;
	s16 =	sor.u32 $0x10, s13  }
0x31: {  	s12 =	smul.u32 $0x4080, s12;
	v1 =	vld [tilespmem:s16+$0x0]  }
0x32: {  	s30 =	sand.u32 $0x1, s10;
	v0 =	vld [tilespmem:s16+$0xFFFFFFF0]  }
0x33: {  	s13 =	smul.u32 $0x4080, s30;
	s12 =	sshrl.u32 s12, $0x2  }
0x34: {  	s14 =	sor.u32 $0x2000, s12  }
0x35: {  	s31 =	sshrl.u32 s13, $0x2;
	s13 =	sadd.s32 $0x0, s14  }
0x36: {  	s15 =	simm.s32 $0x4;
	s16 =	sadd.s32 $0x20, s16;
	s12 =	sor.u32 $0x2000, s31;
	[tilespmem:s13+$0x810 ss:$0x81] =	vst.msk $0xffff, v1  }
.LBB1_3:
0x37: {  	v1 =	vld [tilespmem:s16+$0x0];
	p1 =	sne.s32 s15, $0x1FC;
	[tilespmem:s13+$0x0 ss:$0x81] =	vst.msk $0xffff, v0;
	s13 =	smov.u32 s15;
	s15 =	sadd.s32 $0x4, s15  }
.Ltmp3:
0x38: {  	v0 =	vld [tilespmem:s16+$0xFFFFFFF0];
	(pc) =	sbr.rel @p1 .LBB1_3-.Ltmp3, $4  }
0x39: {  	_ = 	snop  }
0x3a: {  	s13 =	sshra.s32 s13, $0x2  }
0x3b: {  	s13 =	sadd.s32 s13, s14  }
0x3c: {  	s16 =	sadd.s32 $0x20, s16;
	[tilespmem:s13+$0x810 ss:$0x81] =	vst.msk $0xffff, v1  }
.Ltmp4:
0x3d: {  	_ = 	snop;
	(pc) =	sbr.rel .LBB1_4-.Ltmp4, $1  }
0x3e: {  	_ =	sdelay $0x3  }
.LBB1_6:
0x3f: {  	_ =	sfence.sel $0x180000  }
0x40: {  	s2 =	simm.s32 $0x1;
	[bflag:$0x0] =	sbarrier.arrive $0xFFFF  }
0x41: {  	s31 =	simm.s32 $0x2;
	[sflag:s2] =	ssyncpa.u1 $0x1  }
0x42: {  	[sflag:s31] =	ssyncpa.u1 $0x1  }
0x43: {  	p0 =	sne.s32 s0, $0x0;
	_ =	strace $0x9000004A  }
0x44: {  	s0 =	sadd.s32 @!p0 $0x100000, s1;
	[bflag:$0x2] =	sbarrier.arrive $0xFFFF  }
0x45: {  	[sflag:s0] =	ssyncadd.tile.s32 @!p0 $0x1;
	_ =	shalt  }
.Lfunc_end1:
_tile_overlayer_lowered:
.L_overlay_start_2:
0x46: {  	(tag) =	ssettag $0x2  }
0x47: {  	s0 =	rddreg [dreg:$0x0];
	s2 =	stileid.u32  }
0x48: {  	s1 =	rddreg [dreg:$0x1];
	p0 =	sne.s32 s2, $0x0  }
0x49: {  	s3 =	rddreg [dreg:$0x2];
	[bflag:$0x3] =	sbarrier.arrive $0xFFFF;
	s2 =	simm.s32 @!p0 $0x1C01  }
0x4a: {  	[timem:s3], [sflag:s2] =	dma.local @!p0 [hbm:s0], s1  }
0x4b: {  	s0 =	simm.s32 @!p0 $0x1  }
0x4c: {  	_ =	swait.ge @!p0 [sflag:s0], s1  }
0x4d: {  	s1 =	ssub.s32 @!p0 $0x0, s1;
	[sflag:s0] =	ssyncset.done @!p0 $0x0  }
0x4e: {  	[sflag:s0] =	ssyncadd.s32 @!p0 s1  }
0x4f: {  	[bflag:$0x3] =	sbarrier.arrive $0xFFFF  }
0x50: {  	_ =	shalt  }

</sc_bundles>
